<compile_context>
chip_gen: v7x
topology: tpu7x:2x2x1
jax: 0.10.2.dev20260603
libtpu: 0.0.44.dev20260713+nightly
codegen_flags: <defaults>
</compile_context>

<pallas_src>
import functools

import jax
import jax.numpy as jnp
from jax import lax
from jax.experimental import pallas as pl
from jax.experimental.pallas import tpu as pltpu
from jax.experimental.pallas import tpu_sc as plsc

_CB = 100
_GPB = 2
_NBUF = 3


def _embed_lookup(idx2d, table, B, V, D):
    info = plsc.get_sparse_core_info()
    NC, NS = info.num_cores, info.num_subcores
    NW = NC * NS
    b_per_w = B // NW
    rows_per_chunk = _GPB * _CB
    n_idx_rows = b_per_w // _CB
    n_chunks = b_per_w // rows_per_chunk
    n_outer = n_chunks // _NBUF
    n_tail = n_chunks - n_outer * _NBUF
    mesh = plsc.VectorSubcoreMesh(core_axis_name="c", subcore_axis_name="s")

    @functools.partial(
        pl.kernel,
        mesh=mesh,
        out_type=jax.ShapeDtypeStruct((B, D), jnp.float32),
        scratch_types=[
            pltpu.VMEM((_GPB * n_chunks, _CB), jnp.int32),
            pltpu.VMEM((_NBUF, rows_per_chunk, D), jnp.float32),
            pltpu.VMEM_SHARED((V, D), jnp.float32),
            pltpu.SemaphoreType.DMA,
            pltpu.SemaphoreType.DMA,
            pltpu.SemaphoreType.DMA,
        ],
    )
    def emb(idx_hbm, table_hbm, out_hbm, idx_all, rows, table_sh, s0, s1, s2):
        sems = [s0, s1, s2]
        sid = lax.axis_index("s")
        wid = sid * NC + lax.axis_index("c")
        base = wid * b_per_w

        rows_per_stager = V // 5

        @pl.when(sid < 5)
        def _():
            pltpu.sync_copy(
                table_hbm.at[pl.ds(sid * rows_per_stager, rows_per_stager)],
                table_sh.at[pl.ds(sid * rows_per_stager, rows_per_stager)],
            )

        pltpu.sync_copy(idx_hbm.at[pl.ds(wid * n_idx_rows, n_idx_rows)], idx_all)
        plsc.subcore_barrier()

        def start_chunk(g, b):
            for j in range(_GPB):
                pltpu.async_copy(
                    table_sh.at[idx_all.at[g * _GPB + j]],
                    rows.at[b].at[pl.ds(j * _CB, _CB)],
                    sems[b],
                )

        def wait_chunk(b):
            pltpu.make_async_copy(
                table_sh.at[idx_all.at[0]], rows.at[b], sems[b]
            ).wait()

        def write_chunk(g, b):
            pltpu.sync_copy(
                rows.at[b],
                out_hbm.at[pl.ds(base + g * rows_per_chunk, rows_per_chunk)],
            )

        for b in range(_NBUF):
            start_chunk(b, b)

        def round_body(k, carry):
            for b in range(_NBUF):
                g = k * _NBUF + b
                wait_chunk(b)
                write_chunk(g, b)

                @pl.when(g + _NBUF < n_chunks)
                def _():
                    start_chunk(g + _NBUF, b)

            return carry

        lax.fori_loop(0, n_outer, round_body, 0)

        for e in range(n_tail):
            g = n_outer * _NBUF + e
            b = g % _NBUF
            wait_chunk(b)
            write_chunk(g, b)

    return emb(idx2d, table)


def kernel(input_ids, embed_table):
    V, D = embed_table.shape
    B = input_ids.size
    idx2d = input_ids.reshape((B // _CB, _CB)).astype(jnp.int32)
    out = _embed_lookup(idx2d, embed_table, B, V, D)
    return out.reshape(input_ids.shape + (D,))

# --- scband reference (transcript-rebuilt; emitter-appended) ---
"""Pipeline reference for scband-mock-transformer-model-41523743817928 (READ-ONLY COPY).

The authoritative reference and input builder live on the scoring server;
editing this copy changes nothing except your own understanding.
"""

import jax, jax.numpy as jnp
import numpy as np

NUM_LAYERS = 4
HIDDEN_SIZE = 128
VOCAB = 1000


def setup_inputs(seed: int = 0) -> dict:
    key = jax.random.key(seed)
    k_ids, k_emb = jax.random.split(key)
    input_ids = jax.random.randint(k_ids, (4096, 200), 0, VOCAB, dtype=jnp.int64 if jax.config.jax_enable_x64 else jnp.int32)
    embed_table = jax.random.normal(k_emb, (VOCAB, HIDDEN_SIZE), dtype=jnp.float32)
    return {"input_ids": input_ids, "embed_table": embed_table}


def reference(input_ids, embed_table):
    # hidden = self.model.embed(input_ids)
    hidden = jnp.take(embed_table, input_ids, axis=0)
    # each MockLayer is identity: returns (hidden_states,)
    for _ in range(NUM_LAYERS):
        hidden = hidden
    return hidden

if __name__ == "__main__":
    import jax
    _d = setup_inputs()
    print(jax.jit(kernel)(*tuple(_d.values())))

</pallas_src>

<mosaic_0001>
#map = affine_map<(d0, d1) -> (0, 0)>
module attributes {stable_mosaic.version = 14 : i64} {
  func.func @emb(%arg0: i32, %arg1: i32, %arg2: memref<8192x100xi32, #tpu.memory_space<hbm>>, %arg3: memref<1000x128xf32, #tpu.memory_space<hbm>>, %arg4: memref<819200x128xf32, #tpu.memory_space<hbm>>, %arg5: memref<256x100xi32, #tpu.memory_space<vmem>>, %arg6: memref<3x200x128xf32, #tpu.memory_space<vmem>>, %arg7: memref<1000x128xf32, #tpu.memory_space<vmem_shared>>, %arg8: memref<!tpu.dma_semaphore, #tpu.memory_space<semaphore_mem>>, %arg9: memref<!tpu.dma_semaphore, #tpu.memory_space<semaphore_mem>>, %arg10: memref<!tpu.dma_semaphore, #tpu.memory_space<semaphore_mem>>) attributes {dimension_semantics = [#tpu.dimension_semantics<core_parallel>, #tpu.dimension_semantics<subcore_parallel>], iteration_bounds = array<i64: 2, 16>, scalar_prefetch = 0 : i64, scratch_operands = 6 : i64, tpu.core_type = #tpu.core_type<sc_vector_subcore>, window_params = [{transform_indices = #map}, {transform_indices = #map}, {transform_indices = #map}]} {
    %mul3A = arith.constant 2 : i32
    %mul3A_0 = arith.muli %arg1, %mul3A : i32
    %add3A = arith.addi %mul3A_0, %arg0 : i32
    %mul3A_1 = arith.constant 25600 : i32
    %mul3A_2 = arith.muli %add3A, %mul3A_1 : i32
    %lt3A = arith.constant 5 : i32
    %lt3A_3 = arith.cmpi slt, %arg1, %lt3A : i32
    %convert_element_type3A = arith.extui %lt3A_3 : i1 to i32
    %cond3A = arith.constant 0 : i32
    %cond3A_4 = arith.cmpi ne, %convert_element_type3A, %cond3A : i32
    scf.if %cond3A_4 {
      %mul3A_129 = arith.constant 200 : i32
      %mul3A_130 = arith.muli %arg1, %mul3A_129 : i32
      %mul3A_131 = arith.constant 200 : i32
      %mul3A_132 = arith.muli %arg1, %mul3A_131 : i32
      "tpu.region"() ({
        %run_scoped3A_133 = tpu.sem_alloc : memref<!tpu.dma_semaphore, #tpu.memory_space<semaphore_mem>>
        %dma_start3A_134 = arith.constant 0 : i32
        %dma_start3A_135 = tpu.memref_slice %arg7[%mul3A_132, %dma_start3A_134] : memref<1000x128xf32, #tpu.memory_space<vmem_shared>> -> memref<200x128xf32, #tpu.memory_space<vmem_shared>>
        %dma_start3A_136 = arith.constant 0 : i32
        %dma_start3A_137 = tpu.memref_slice %arg3[%mul3A_130, %dma_start3A_136] : memref<1000x128xf32, #tpu.memory_space<hbm>> -> memref<200x128xf32, #tpu.memory_space<hbm>>
        tpu.enqueue_dma source(%dma_start3A_137 : memref<200x128xf32, #tpu.memory_space<hbm>>) target(%dma_start3A_135 : memref<200x128xf32, #tpu.memory_space<vmem_shared>>) target_semaphore(%run_scoped3A_133 : memref<!tpu.dma_semaphore, #tpu.memory_space<semaphore_mem>>)
        %dma_wait3A_138 = arith.constant 0 : i32
        %dma_wait3A_139 = tpu.memref_slice %arg7[%mul3A_132, %dma_wait3A_138] : memref<1000x128xf32, #tpu.memory_space<vmem_shared>> -> memref<200x128xf32, #tpu.memory_space<vmem_shared>>
        %dma_wait3A_140 = arith.constant 0 : i32
        %dma_wait3A_141 = tpu.memref_slice %arg3[%mul3A_130, %dma_wait3A_140] : memref<1000x128xf32, #tpu.memory_space<hbm>> -> memref<200x128xf32, #tpu.memory_space<hbm>>
        tpu.wait_dma2 semaphore(%run_scoped3A_133 : memref<!tpu.dma_semaphore, #tpu.memory_space<semaphore_mem>>) src(%dma_wait3A_141 : memref<200x128xf32, #tpu.memory_space<hbm>>) dst(%dma_wait3A_139 : memref<200x128xf32, #tpu.memory_space<vmem_shared>>)
        tpu.yield
      }) : () -> ()
    } else {
    }
    %mul3A_5 = arith.constant 256 : i32
    %mul3A_6 = arith.muli %add3A, %mul3A_5 : i32
    "tpu.region"() ({
      %run_scoped3A_129 = tpu.sem_alloc : memref<!tpu.dma_semaphore, #tpu.memory_space<semaphore_mem>>
      %dma_start3A_130 = arith.constant 0 : i32
      %dma_start3A_131 = tpu.memref_slice %arg2[%mul3A_6, %dma_start3A_130] : memref<8192x100xi32, #tpu.memory_space<hbm>> -> memref<256x100xi32, #tpu.memory_space<hbm>>
      %dma_start3A_132 = arith.constant 0 : i32
      %dma_start3A_133 = tpu.memref_slice %arg2[%mul3A_6, %dma_start3A_132] : memref<8192x100xi32, #tpu.memory_space<hbm>> -> memref<256x100xi32, #tpu.memory_space<hbm>>
      tpu.enqueue_dma source(%dma_start3A_133 : memref<256x100xi32, #tpu.memory_space<hbm>>) target(%arg5 : memref<256x100xi32, #tpu.memory_space<vmem>>) target_semaphore(%run_scoped3A_129 : memref<!tpu.dma_semaphore, #tpu.memory_space<semaphore_mem>>)
      %dma_wait3A_134 = arith.constant 0 : i32
      %dma_wait3A_135 = tpu.memref_slice %arg2[%mul3A_6, %dma_wait3A_134] : memref<8192x100xi32, #tpu.memory_space<hbm>> -> memref<256x100xi32, #tpu.memory_space<hbm>>
      %dma_wait3A_136 = arith.constant 0 : i32
      %dma_wait3A_137 = tpu.memref_slice %arg2[%mul3A_6, %dma_wait3A_136] : memref<8192x100xi32, #tpu.memory_space<hbm>> -> memref<256x100xi32, #tpu.memory_space<hbm>>
      tpu.wait_dma2 semaphore(%run_scoped3A_129 : memref<!tpu.dma_semaphore, #tpu.memory_space<semaphore_mem>>) src(%dma_wait3A_137 : memref<256x100xi32, #tpu.memory_space<hbm>>) dst(%arg5 : memref<256x100xi32, #tpu.memory_space<vmem>>)
      tpu.yield
    }) : () -> ()
    %barrier3A = arith.constant 0 : index
    tpu.barrier barrier_id(%barrier3A)
    %dma_start3A = arith.constant 0 : i32
    %dma_start3A_7 = arith.constant 0 : i32
    %dma_start3A_8 = arith.constant 0 : i32
    %dma_start3A_9 = arith.constant 0 : i32
    %dma_start3A_10 = tpu.memref_slice %arg6[%dma_start3A_7, %dma_start3A_8, %dma_start3A_9] : memref<3x200x128xf32, #tpu.memory_space<vmem>> -> memref<1x200x128xf32, #tpu.memory_space<vmem>>
    %dma_start3A_11 = tpu.memref_squeeze %dma_start3A_10 : memref<1x200x128xf32, #tpu.memory_space<vmem>> -> memref<200x128xf32, #tpu.memory_space<vmem>>
    %dma_start3A_12 = arith.constant 0 : i32
    %dma_start3A_13 = arith.constant 0 : i32
    %dma_start3A_14 = tpu.memref_slice %dma_start3A_11[%dma_start3A_12, %dma_start3A_13] : memref<200x128xf32, #tpu.memory_space<vmem>> -> memref<100x128xf32, #tpu.memory_space<vmem>>
    %dma_start3A_15 = arith.constant 0 : i32
    %dma_start3A_16 = tpu.memref_slice %arg5[%dma_start3A, %dma_start3A_15] : memref<256x100xi32, #tpu.memory_space<vmem>> -> memref<1x100xi32, #tpu.memory_space<vmem>>
    %dma_start3A_17 = tpu.memref_squeeze %dma_start3A_16 : memref<1x100xi32, #tpu.memory_space<vmem>> -> memref<100xi32, #tpu.memory_space<vmem>>
    %dma_start3A_18 = arith.constant 0 : i32
    %dma_start3A_19 = arith.constant 0 : i32
    %dma_start3A_20 = tpu.memref_slice %arg7[%dma_start3A_18, %dma_start3A_19] : memref<1000x128xf32, #tpu.memory_space<vmem_shared>> -> memref<1000x128xf32, #tpu.memory_space<vmem_shared>>
    tpu.enqueue_indirect_dma source(%dma_start3A_20 : memref<1000x128xf32, #tpu.memory_space<vmem_shared>>) target(%dma_start3A_14 : memref<100x128xf32, #tpu.memory_space<vmem>>) offsets(%dma_start3A_17 : memref<100xi32, #tpu.memory_space<vmem>>) semaphore(%arg8 : memref<!tpu.dma_semaphore, #tpu.memory_space<semaphore_mem>>)
    %dma_start3A_21 = arith.constant 1 : i32
    %dma_start3A_22 = arith.constant 0 : i32
    %dma_start3A_23 = arith.constant 0 : i32
    %dma_start3A_24 = arith.constant 0 : i32
    %dma_start3A_25 = tpu.memref_slice %arg6[%dma_start3A_22, %dma_start3A_23, %dma_start3A_24] : memref<3x200x128xf32, #tpu.memory_space<vmem>> -> memref<1x200x128xf32, #tpu.memory_space<vmem>>
    %dma_start3A_26 = tpu.memref_squeeze %dma_start3A_25 : memref<1x200x128xf32, #tpu.memory_space<vmem>> -> memref<200x128xf32, #tpu.memory_space<vmem>>
    %dma_start3A_27 = arith.constant 100 : i32
    %dma_start3A_28 = arith.constant 0 : i32
    %dma_start3A_29 = tpu.memref_slice %dma_start3A_26[%dma_start3A_27, %dma_start3A_28] : memref<200x128xf32, #tpu.memory_space<vmem>> -> memref<100x128xf32, #tpu.memory_space<vmem>>
    %dma_start3A_30 = arith.constant 0 : i32
    %dma_start3A_31 = tpu.memref_slice %arg5[%dma_start3A_21, %dma_start3A_30] : memref<256x100xi32, #tpu.memory_space<vmem>> -> memref<1x100xi32, #tpu.memory_space<vmem>>
    %dma_start3A_32 = tpu.memref_squeeze %dma_start3A_31 : memref<1x100xi32, #tpu.memory_space<vmem>> -> memref<100xi32, #tpu.memory_space<vmem>>
    %dma_start3A_33 = arith.constant 0 : i32
    %dma_start3A_34 = arith.constant 0 : i32
    %dma_start3A_35 = tpu.memref_slice %arg7[%dma_start3A_33, %dma_start3A_34] : memref<1000x128xf32, #tpu.memory_space<vmem_shared>> -> memref<1000x128xf32, #tpu.memory_space<vmem_shared>>
    tpu.enqueue_indirect_dma source(%dma_start3A_35 : memref<1000x128xf32, #tpu.memory_space<vmem_shared>>) target(%dma_start3A_29 : memref<100x128xf32, #tpu.memory_space<vmem>>) offsets(%dma_start3A_32 : memref<100xi32, #tpu.memory_space<vmem>>) semaphore(%arg8 : memref<!tpu.dma_semaphore, #tpu.memory_space<semaphore_mem>>)
    %dma_start3A_36 = arith.constant 2 : i32
    %dma_start3A_37 = arith.constant 1 : i32
    %dma_start3A_38 = arith.constant 0 : i32
    %dma_start3A_39 = arith.constant 0 : i32
    %dma_start3A_40 = tpu.memref_slice %arg6[%dma_start3A_37, %dma_start3A_38, %dma_start3A_39] : memref<3x200x128xf32, #tpu.memory_space<vmem>> -> memref<1x200x128xf32, #tpu.memory_space<vmem>>
    %dma_start3A_41 = tpu.memref_squeeze %dma_start3A_40 : memref<1x200x128xf32, #tpu.memory_space<vmem>> -> memref<200x128xf32, #tpu.memory_space<vmem>>
    %dma_start3A_42 = arith.constant 0 : i32
    %dma_start3A_43 = arith.constant 0 : i32
    %dma_start3A_44 = tpu.memref_slice %dma_start3A_41[%dma_start3A_42, %dma_start3A_43] : memref<200x128xf32, #tpu.memory_space<vmem>> -> memref<100x128xf32, #tpu.memory_space<vmem>>
    %dma_start3A_45 = arith.constant 0 : i32
    %dma_start3A_46 = tpu.memref_slice %arg5[%dma_start3A_36, %dma_start3A_45] : memref<256x100xi32, #tpu.memory_space<vmem>> -> memref<1x100xi32, #tpu.memory_space<vmem>>
    %dma_start3A_47 = tpu.memref_squeeze %dma_start3A_46 : memref<1x100xi32, #tpu.memory_space<vmem>> -> memref<100xi32, #tpu.memory_space<vmem>>
    %dma_start3A_48 = arith.constant 0 : i32
    %dma_start3A_49 = arith.constant 0 : i32
    %dma_start3A_50 = tpu.memref_slice %arg7[%dma_start3A_48, %dma_start3A_49] : memref<1000x128xf32, #tpu.memory_space<vmem_shared>> -> memref<1000x128xf32, #tpu.memory_space<vmem_shared>>
    tpu.enqueue_indirect_dma source(%dma_start3A_50 : memref<1000x128xf32, #tpu.memory_space<vmem_shared>>) target(%dma_start3A_44 : memref<100x128xf32, #tpu.memory_space<vmem>>) offsets(%dma_start3A_47 : memref<100xi32, #tpu.memory_space<vmem>>) semaphore(%arg9 : memref<!tpu.dma_semaphore, #tpu.memory_space<semaphore_mem>>)
    %dma_start3A_51 = arith.constant 3 : i32
    %dma_start3A_52 = arith.constant 1 : i32
    %dma_start3A_53 = arith.constant 0 : i32
    %dma_start3A_54 = arith.constant 0 : i32
    %dma_start3A_55 = tpu.memref_slice %arg6[%dma_start3A_52, %dma_start3A_53, %dma_start3A_54] : memref<3x200x128xf32, #tpu.memory_space<vmem>> -> memref<1x200x128xf32, #tpu.memory_space<vmem>>
    %dma_start3A_56 = tpu.memref_squeeze %dma_start3A_55 : memref<1x200x128xf32, #tpu.memory_space<vmem>> -> memref<200x128xf32, #tpu.memory_space<vmem>>
    %dma_start3A_57 = arith.constant 100 : i32
    %dma_start3A_58 = arith.constant 0 : i32
    %dma_start3A_59 = tpu.memref_slice %dma_start3A_56[%dma_start3A_57, %dma_start3A_58] : memref<200x128xf32, #tpu.memory_space<vmem>> -> memref<100x128xf32, #tpu.memory_space<vmem>>
    %dma_start3A_60 = arith.constant 0 : i32
    %dma_start3A_61 = tpu.memref_slice %arg5[%dma_start3A_51, %dma_start3A_60] : memref<256x100xi32, #tpu.memory_space<vmem>> -> memref<1x100xi32, #tpu.memory_space<vmem>>
    %dma_start3A_62 = tpu.memref_squeeze %dma_start3A_61 : memref<1x100xi32, #tpu.memory_space<vmem>> -> memref<100xi32, #tpu.memory_space<vmem>>
    %dma_start3A_63 = arith.constant 0 : i32
    %dma_start3A_64 = arith.constant 0 : i32
    %dma_start3A_65 = tpu.memref_slice %arg7[%dma_start3A_63, %dma_start3A_64] : memref<1000x128xf32, #tpu.memory_space<vmem_shared>> -> memref<1000x128xf32, #tpu.memory_space<vmem_shared>>
    tpu.enqueue_indirect_dma source(%dma_start3A_65 : memref<1000x128xf32, #tpu.memory_space<vmem_shared>>) target(%dma_start3A_59 : memref<100x128xf32, #tpu.memory_space<vmem>>) offsets(%dma_start3A_62 : memref<100xi32, #tpu.memory_space<vmem>>) semaphore(%arg9 : memref<!tpu.dma_semaphore, #tpu.memory_space<semaphore_mem>>)
    %dma_start3A_66 = arith.constant 4 : i32
    %dma_start3A_67 = arith.constant 2 : i32
    %dma_start3A_68 = arith.constant 0 : i32
    %dma_start3A_69 = arith.constant 0 : i32
    %dma_start3A_70 = tpu.memref_slice %arg6[%dma_start3A_67, %dma_start3A_68, %dma_start3A_69] : memref<3x200x128xf32, #tpu.memory_space<vmem>> -> memref<1x200x128xf32, #tpu.memory_space<vmem>>
    %dma_start3A_71 = tpu.memref_squeeze %dma_start3A_70 : memref<1x200x128xf32, #tpu.memory_space<vmem>> -> memref<200x128xf32, #tpu.memory_space<vmem>>
    %dma_start3A_72 = arith.constant 0 : i32
    %dma_start3A_73 = arith.constant 0 : i32
    %dma_start3A_74 = tpu.memref_slice %dma_start3A_71[%dma_start3A_72, %dma_start3A_73] : memref<200x128xf32, #tpu.memory_space<vmem>> -> memref<100x128xf32, #tpu.memory_space<vmem>>
    %dma_start3A_75 = arith.constant 0 : i32
    %dma_start3A_76 = tpu.memref_slice %arg5[%dma_start3A_66, %dma_start3A_75] : memref<256x100xi32, #tpu.memory_space<vmem>> -> memref<1x100xi32, #tpu.memory_space<vmem>>
    %dma_start3A_77 = tpu.memref_squeeze %dma_start3A_76 : memref<1x100xi32, #tpu.memory_space<vmem>> -> memref<100xi32, #tpu.memory_space<vmem>>
    %dma_start3A_78 = arith.constant 0 : i32
    %dma_start3A_79 = arith.constant 0 : i32
    %dma_start3A_80 = tpu.memref_slice %arg7[%dma_start3A_78, %dma_start3A_79] : memref<1000x128xf32, #tpu.memory_space<vmem_shared>> -> memref<1000x128xf32, #tpu.memory_space<vmem_shared>>
    tpu.enqueue_indirect_dma source(%dma_start3A_80 : memref<1000x128xf32, #tpu.memory_space<vmem_shared>>) target(%dma_start3A_74 : memref<100x128xf32, #tpu.memory_space<vmem>>) offsets(%dma_start3A_77 : memref<100xi32, #tpu.memory_space<vmem>>) semaphore(%arg10 : memref<!tpu.dma_semaphore, #tpu.memory_space<semaphore_mem>>)
    %dma_start3A_81 = arith.constant 5 : i32
    %dma_start3A_82 = arith.constant 2 : i32
    %dma_start3A_83 = arith.constant 0 : i32
    %dma_start3A_84 = arith.constant 0 : i32
    %dma_start3A_85 = tpu.memref_slice %arg6[%dma_start3A_82, %dma_start3A_83, %dma_start3A_84] : memref<3x200x128xf32, #tpu.memory_space<vmem>> -> memref<1x200x128xf32, #tpu.memory_space<vmem>>
    %dma_start3A_86 = tpu.memref_squeeze %dma_start3A_85 : memref<1x200x128xf32, #tpu.memory_space<vmem>> -> memref<200x128xf32, #tpu.memory_space<vmem>>
    %dma_start3A_87 = arith.constant 100 : i32
    %dma_start3A_88 = arith.constant 0 : i32
    %dma_start3A_89 = tpu.memref_slice %dma_start3A_86[%dma_start3A_87, %dma_start3A_88] : memref<200x128xf32, #tpu.memory_space<vmem>> -> memref<100x128xf32, #tpu.memory_space<vmem>>
    %dma_start3A_90 = arith.constant 0 : i32
    %dma_start3A_91 = tpu.memref_slice %arg5[%dma_start3A_81, %dma_start3A_90] : memref<256x100xi32, #tpu.memory_space<vmem>> -> memref<1x100xi32, #tpu.memory_space<vmem>>
    %dma_start3A_92 = tpu.memref_squeeze %dma_start3A_91 : memref<1x100xi32, #tpu.memory_space<vmem>> -> memref<100xi32, #tpu.memory_space<vmem>>
    %dma_start3A_93 = arith.constant 0 : i32
    %dma_start3A_94 = arith.constant 0 : i32
    %dma_start3A_95 = tpu.memref_slice %arg7[%dma_start3A_93, %dma_start3A_94] : memref<1000x128xf32, #tpu.memory_space<vmem_shared>> -> memref<1000x128xf32, #tpu.memory_space<vmem_shared>>
    tpu.enqueue_indirect_dma source(%dma_start3A_95 : memref<1000x128xf32, #tpu.memory_space<vmem_shared>>) target(%dma_start3A_89 : memref<100x128xf32, #tpu.memory_space<vmem>>) offsets(%dma_start3A_92 : memref<100xi32, #tpu.memory_space<vmem>>) semaphore(%arg10 : memref<!tpu.dma_semaphore, #tpu.memory_space<semaphore_mem>>)
    %scan3A = arith.constant 0 : i32
    %scan3A_96 = arith.constant 0 : i32
    %scan3A_97 = arith.constant 42 : i32
    %scan3A_98 = arith.addi %scan3A_96, %scan3A_97 : i32
    %scan3A_99 = arith.constant 1 : i32
    scf.for %scan3A_129 = %scan3A_96 to %scan3A_98 step %scan3A_99  : i32 {
      %mul3A_130 = arith.constant 3 : i32
      %mul3A_131 = arith.muli %scan3A_129, %mul3A_130 : i32
      %add3A_132 = arith.constant 0 : i32
      %add3A_133 = arith.addi %mul3A_131, %add3A_132 : i32
      %dma_wait3A_134 = arith.constant 0 : i32
      %dma_wait3A_135 = arith.constant 0 : i32
      %dma_wait3A_136 = arith.constant 0 : i32
      %dma_wait3A_137 = arith.constant 0 : i32
      %dma_wait3A_138 = tpu.memref_slice %arg6[%dma_wait3A_135, %dma_wait3A_136, %dma_wait3A_137] : memref<3x200x128xf32, #tpu.memory_space<vmem>> -> memref<1x200x128xf32, #tpu.memory_space<vmem>>
      %dma_wait3A_139 = tpu.memref_squeeze %dma_wait3A_138 : memref<1x200x128xf32, #tpu.memory_space<vmem>> -> memref<200x128xf32, #tpu.memory_space<vmem>>
      %dma_wait3A_140 = arith.constant 0 : i32
      %dma_wait3A_141 = tpu.memref_slice %arg5[%dma_wait3A_134, %dma_wait3A_140] : memref<256x100xi32, #tpu.memory_space<vmem>> -> memref<1x100xi32, #tpu.memory_space<vmem>>
      %dma_wait3A_142 = tpu.memref_squeeze %dma_wait3A_141 : memref<1x100xi32, #tpu.memory_space<vmem>> -> memref<100xi32, #tpu.memory_space<vmem>>
      %dma_wait3A_143 = arith.constant 0 : i32
      %dma_wait3A_144 = arith.constant 0 : i32
      %dma_wait3A_145 = tpu.memref_slice %arg7[%dma_wait3A_143, %dma_wait3A_144] : memref<1000x128xf32, #tpu.memory_space<vmem_shared>> -> memref<1000x128xf32, #tpu.memory_space<vmem_shared>>
      tpu.wait_indirect_dma semaphore(%arg8 : memref<!tpu.dma_semaphore, #tpu.memory_space<semaphore_mem>>) src(%dma_wait3A_145 : memref<1000x128xf32, #tpu.memory_space<vmem_shared>>) dst(%dma_wait3A_139 : memref<200x128xf32, #tpu.memory_space<vmem>>)
      %mul3A_146 = arith.constant 200 : i32
      %mul3A_147 = arith.muli %add3A_133, %mul3A_146 : i32
      %add3A_148 = arith.addi %mul3A_2, %mul3A_147 : i32
      %run_scoped3A_149 = arith.constant 0 : i32
      "tpu.region"() ({
        %run_scoped3A_211 = tpu.sem_alloc : memref<!tpu.dma_semaphore, #tpu.memory_space<semaphore_mem>>
        %dma_start3A_212 = arith.constant 0 : i32
        %dma_start3A_213 = arith.constant 0 : i32
        %dma_start3A_214 = tpu.memref_slice %arg6[%run_scoped3A_149, %dma_start3A_212, %dma_start3A_213] : memref<3x200x128xf32, #tpu.memory_space<vmem>> -> memref<1x200x128xf32, #tpu.memory_space<vmem>>
        %dma_start3A_215 = tpu.memref_squeeze %dma_start3A_214 : memref<1x200x128xf32, #tpu.memory_space<vmem>> -> memref<200x128xf32, #tpu.memory_space<vmem>>
        %dma_start3A_216 = arith.constant 0 : i32
        %dma_start3A_217 = tpu.memref_slice %arg4[%add3A_148, %dma_start3A_216] : memref<819200x128xf32, #tpu.memory_space<hbm>> -> memref<200x128xf32, #tpu.memory_space<hbm>>
        %dma_start3A_218 = arith.constant 0 : i32
        %dma_start3A_219 = tpu.memref_slice %arg4[%add3A_148, %dma_start3A_218] : memref<819200x128xf32, #tpu.memory_space<hbm>> -> memref<200x128xf32, #tpu.memory_space<hbm>>
        %dma_start3A_220 = arith.constant 0 : i32
        %dma_start3A_221 = arith.constant 0 : i32
        %dma_start3A_222 = tpu.memref_slice %arg6[%run_scoped3A_149, %dma_start3A_220, %dma_start3A_221] : memref<3x200x128xf32, #tpu.memory_space<vmem>> -> memref<1x200x128xf32, #tpu.memory_space<vmem>>
        %dma_start3A_223 = tpu.memref_squeeze %dma_start3A_222 : memref<1x200x128xf32, #tpu.memory_space<vmem>> -> memref<200x128xf32, #tpu.memory_space<vmem>>
        tpu.enqueue_dma source(%dma_start3A_223 : memref<200x128xf32, #tpu.memory_space<vmem>>) target(%dma_start3A_219 : memref<200x128xf32, #tpu.memory_space<hbm>>) target_semaphore(%run_scoped3A_211 : memref<!tpu.dma_semaphore, #tpu.memory_space<semaphore_mem>>)
        %dma_wait3A_224 = arith.constant 0 : i32
        %dma_wait3A_225 = arith.constant 0 : i32
        %dma_wait3A_226 = tpu.memref_slice %arg6[%run_scoped3A_149, %dma_wait3A_224, %dma_wait3A_225] : memref<3x200x128xf32, #tpu.memory_space<vmem>> -> memref<1x200x128xf32, #tpu.memory_space<vmem>>
        %dma_wait3A_227 = tpu.memref_squeeze %dma_wait3A_226 : memref<1x200x128xf32, #tpu.memory_space<vmem>> -> memref<200x128xf32, #tpu.memory_space<vmem>>
        %dma_wait3A_228 = arith.constant 0 : i32
        %dma_wait3A_229 = tpu.memref_slice %arg4[%add3A_148, %dma_wait3A_228] : memref<819200x128xf32, #tpu.memory_space<hbm>> -> memref<200x128xf32, #tpu.memory_space<hbm>>
        %dma_wait3A_230 = arith.constant 0 : i32
        %dma_wait3A_231 = tpu.memref_slice %arg4[%add3A_148, %dma_wait3A_230] : memref<819200x128xf32, #tpu.memory_space<hbm>> -> memref<200x128xf32, #tpu.memory_space<hbm>>
        %dma_wait3A_232 = arith.constant 0 : i32
        %dma_wait3A_233 = arith.constant 0 : i32
        %dma_wait3A_234 = tpu.memref_slice %arg6[%run_scoped3A_149, %dma_wait3A_232, %dma_wait3A_233] : memref<3x200x128xf32, #tpu.memory_space<vmem>> -> memref<1x200x128xf32, #tpu.memory_space<vmem>>
        %dma_wait3A_235 = tpu.memref_squeeze %dma_wait3A_234 : memref<1x200x128xf32, #tpu.memory_space<vmem>> -> memref<200x128xf32, #tpu.memory_space<vmem>>
        tpu.wait_dma2 semaphore(%run_scoped3A_211 : memref<!tpu.dma_semaphore, #tpu.memory_space<semaphore_mem>>) src(%dma_wait3A_235 : memref<200x128xf32, #tpu.memory_space<vmem>>) dst(%dma_wait3A_231 : memref<200x128xf32, #tpu.memory_space<hbm>>)
        tpu.yield
      }) : () -> ()
      %add3A_150 = arith.constant 3 : i32
      %add3A_151 = arith.addi %add3A_133, %add3A_150 : i32
      %lt3A_152 = arith.constant 128 : i32
      %lt3A_153 = arith.cmpi slt, %add3A_151, %lt3A_152 : i32
      %convert_element_type3A_154 = arith.extui %lt3A_153 : i1 to i32
      %cond3A_155 = arith.constant 0 : i32
      %cond3A_156 = arith.cmpi ne, %convert_element_type3A_154, %cond3A_155 : i32
      scf.if %cond3A_156 {
        %add3A_211 = arith.constant 3 : i32
        %add3A_212 = arith.addi %add3A_133, %add3A_211 : i32
        %mul3A_213 = arith.constant 2 : i32
        %mul3A_214 = arith.muli %add3A_212, %mul3A_213 : i32
        %add3A_215 = arith.constant 0 : i32
        %add3A_216 = arith.addi %mul3A_214, %add3A_215 : i32
        %dma_start3A_217 = arith.constant 0 : i32
        %dma_start3A_218 = arith.constant 0 : i32
        %dma_start3A_219 = arith.constant 0 : i32
        %dma_start3A_220 = tpu.memref_slice %arg6[%dma_start3A_217, %dma_start3A_218, %dma_start3A_219] : memref<3x200x128xf32, #tpu.memory_space<vmem>> -> memref<1x200x128xf32, #tpu.memory_space<vmem>>
        %dma_start3A_221 = tpu.memref_squeeze %dma_start3A_220 : memref<1x200x128xf32, #tpu.memory_space<vmem>> -> memref<200x128xf32, #tpu.memory_space<vmem>>
        %dma_start3A_222 = arith.constant 0 : i32
        %dma_start3A_223 = arith.constant 0 : i32
        %dma_start3A_224 = tpu.memref_slice %dma_start3A_221[%dma_start3A_222, %dma_start3A_223] : memref<200x128xf32, #tpu.memory_space<vmem>> -> memref<100x128xf32, #tpu.memory_space<vmem>>
        %dma_start3A_225 = arith.constant 0 : i32
        %dma_start3A_226 = tpu.memref_slice %arg5[%add3A_216, %dma_start3A_225] : memref<256x100xi32, #tpu.memory_space<vmem>> -> memref<1x100xi32, #tpu.memory_space<vmem>>
        %dma_start3A_227 = tpu.memref_squeeze %dma_start3A_226 : memref<1x100xi32, #tpu.memory_space<vmem>> -> memref<100xi32, #tpu.memory_space<vmem>>
        %dma_start3A_228 = arith.constant 0 : i32
        %dma_start3A_229 = arith.constant 0 : i32
        %dma_start3A_230 = tpu.memref_slice %arg7[%dma_start3A_228, %dma_start3A_229] : memref<1000x128xf32, #tpu.memory_space<vmem_shared>> -> memref<1000x128xf32, #tpu.memory_space<vmem_shared>>
        tpu.enqueue_indirect_dma source(%dma_start3A_230 : memref<1000x128xf32, #tpu.memory_space<vmem_shared>>) target(%dma_start3A_224 : memref<100x128xf32, #tpu.memory_space<vmem>>) offsets(%dma_start3A_227 : memref<100xi32, #tpu.memory_space<vmem>>) semaphore(%arg8 : memref<!tpu.dma_semaphore, #tpu.memory_space<semaphore_mem>>)
        %mul3A_231 = arith.constant 2 : i32
        %mul3A_232 = arith.muli %add3A_212, %mul3A_231 : i32
        %add3A_233 = arith.constant 1 : i32
        %add3A_234 = arith.addi %mul3A_232, %add3A_233 : i32
        %dma_start3A_235 = arith.constant 0 : i32
        %dma_start3A_236 = arith.constant 0 : i32
        %dma_start3A_237 = arith.constant 0 : i32
        %dma_start3A_238 = tpu.memref_slice %arg6[%dma_start3A_235, %dma_start3A_236, %dma_start3A_237] : memref<3x200x128xf32, #tpu.memory_space<vmem>> -> memref<1x200x128xf32, #tpu.memory_space<vmem>>
        %dma_start3A_239 = tpu.memref_squeeze %dma_start3A_238 : memref<1x200x128xf32, #tpu.memory_space<vmem>> -> memref<200x128xf32, #tpu.memory_space<vmem>>
        %dma_start3A_240 = arith.constant 100 : i32
        %dma_start3A_241 = arith.constant 0 : i32
        %dma_start3A_242 = tpu.memref_slice %dma_start3A_239[%dma_start3A_240, %dma_start3A_241] : memref<200x128xf32, #tpu.memory_space<vmem>> -> memref<100x128xf32, #tpu.memory_space<vmem>>
        %dma_start3A_243 = arith.constant 0 : i32
        %dma_start3A_244 = tpu.memref_slice %arg5[%add3A_234, %dma_start3A_243] : memref<256x100xi32, #tpu.memory_space<vmem>> -> memref<1x100xi32, #tpu.memory_space<vmem>>
        %dma_start3A_245 = tpu.memref_squeeze %dma_start3A_244 : memref<1x100xi32, #tpu.memory_space<vmem>> -> memref<100xi32, #tpu.memory_space<vmem>>
        %dma_start3A_246 = arith.constant 0 : i32
        %dma_start3A_247 = arith.constant 0 : i32
        %dma_start3A_248 = tpu.memref_slice %arg7[%dma_start3A_246, %dma_start3A_247] : memref<1000x128xf32, #tpu.memory_space<vmem_shared>> -> memref<1000x128xf32, #tpu.memory_space<vmem_shared>>
        tpu.enqueue_indirect_dma source(%dma_start3A_248 : memref<1000x128xf32, #tpu.memory_space<vmem_shared>>) target(%dma_start3A_242 : memref<100x128xf32, #tpu.memory_space<vmem>>) offsets(%dma_start3A_245 : memref<100xi32, #tpu.memory_space<vmem>>) semaphore(%arg8 : memref<!tpu.dma_semaphore, #tpu.memory_space<semaphore_mem>>)
      } else {
      }
      %mul3A_157 = arith.constant 3 : i32
      %mul3A_158 = arith.muli %scan3A_129, %mul3A_157 : i32
      %add3A_159 = arith.constant 1 : i32
      %add3A_160 = arith.addi %mul3A_158, %add3A_159 : i32
      %dma_wait3A_161 = arith.constant 0 : i32
      %dma_wait3A_162 = arith.constant 1 : i32
      %dma_wait3A_163 = arith.constant 0 : i32
      %dma_wait3A_164 = arith.constant 0 : i32
      %dma_wait3A_165 = tpu.memref_slice %arg6[%dma_wait3A_162, %dma_wait3A_163, %dma_wait3A_164] : memref<3x200x128xf32, #tpu.memory_space<vmem>> -> memref<1x200x128xf32, #tpu.memory_space<vmem>>
      %dma_wait3A_166 = tpu.memref_squeeze %dma_wait3A_165 : memref<1x200x128xf32, #tpu.memory_space<vmem>> -> memref<200x128xf32, #tpu.memory_space<vmem>>
      %dma_wait3A_167 = arith.constant 0 : i32
      %dma_wait3A_168 = tpu.memref_slice %arg5[%dma_wait3A_161, %dma_wait3A_167] : memref<256x100xi32, #tpu.memory_space<vmem>> -> memref<1x100xi32, #tpu.memory_space<vmem>>
      %dma_wait3A_169 = tpu.memref_squeeze %dma_wait3A_168 : memref<1x100xi32, #tpu.memory_space<vmem>> -> memref<100xi32, #tpu.memory_space<vmem>>
      %dma_wait3A_170 = arith.constant 0 : i32
      %dma_wait3A_171 = arith.constant 0 : i32
      %dma_wait3A_172 = tpu.memref_slice %arg7[%dma_wait3A_170, %dma_wait3A_171] : memref<1000x128xf32, #tpu.memory_space<vmem_shared>> -> memref<1000x128xf32, #tpu.memory_space<vmem_shared>>
      tpu.wait_indirect_dma semaphore(%arg9 : memref<!tpu.dma_semaphore, #tpu.memory_space<semaphore_mem>>) src(%dma_wait3A_172 : memref<1000x128xf32, #tpu.memory_space<vmem_shared>>) dst(%dma_wait3A_166 : memref<200x128xf32, #tpu.memory_space<vmem>>)
      %mul3A_173 = arith.constant 200 : i32
      %mul3A_174 = arith.muli %add3A_160, %mul3A_173 : i32
      %add3A_175 = arith.addi %mul3A_2, %mul3A_174 : i32
      %run_scoped3A_176 = arith.constant 1 : i32
      "tpu.region"() ({
        %run_scoped3A_211 = tpu.sem_alloc : memref<!tpu.dma_semaphore, #tpu.memory_space<semaphore_mem>>
        %dma_start3A_212 = arith.constant 0 : i32
        %dma_start3A_213 = arith.constant 0 : i32
        %dma_start3A_214 = tpu.memref_slice %arg6[%run_scoped3A_176, %dma_start3A_212, %dma_start3A_213] : memref<3x200x128xf32, #tpu.memory_space<vmem>> -> memref<1x200x128xf32, #tpu.memory_space<vmem>>
        %dma_start3A_215 = tpu.memref_squeeze %dma_start3A_214 : memref<1x200x128xf32, #tpu.memory_space<vmem>> -> memref<200x128xf32, #tpu.memory_space<vmem>>
        %dma_start3A_216 = arith.constant 0 : i32
        %dma_start3A_217 = tpu.memref_slice %arg4[%add3A_175, %dma_start3A_216] : memref<819200x128xf32, #tpu.memory_space<hbm>> -> memref<200x128xf32, #tpu.memory_space<hbm>>
        %dma_start3A_218 = arith.constant 0 : i32
        %dma_start3A_219 = tpu.memref_slice %arg4[%add3A_175, %dma_start3A_218] : memref<819200x128xf32, #tpu.memory_space<hbm>> -> memref<200x128xf32, #tpu.memory_space<hbm>>
        %dma_start3A_220 = arith.constant 0 : i32
        %dma_start3A_221 = arith.constant 0 : i32
        %dma_start3A_222 = tpu.memref_slice %arg6[%run_scoped3A_176, %dma_start3A_220, %dma_start3A_221] : memref<3x200x128xf32, #tpu.memory_space<vmem>> -> memref<1x200x128xf32, #tpu.memory_space<vmem>>
        %dma_start3A_223 = tpu.memref_squeeze %dma_start3A_222 : memref<1x200x128xf32, #tpu.memory_space<vmem>> -> memref<200x128xf32, #tpu.memory_space<vmem>>
        tpu.enqueue_dma source(%dma_start3A_223 : memref<200x128xf32, #tpu.memory_space<vmem>>) target(%dma_start3A_219 : memref<200x128xf32, #tpu.memory_space<hbm>>) target_semaphore(%run_scoped3A_211 : memref<!tpu.dma_semaphore, #tpu.memory_space<semaphore_mem>>)
        %dma_wait3A_224 = arith.constant 0 : i32
        %dma_wait3A_225 = arith.constant 0 : i32
        %dma_wait3A_226 = tpu.memref_slice %arg6[%run_scoped3A_176, %dma_wait3A_224, %dma_wait3A_225] : memref<3x200x128xf32, #tpu.memory_space<vmem>> -> memref<1x200x128xf32, #tpu.memory_space<vmem>>
        %dma_wait3A_227 = tpu.memref_squeeze %dma_wait3A_226 : memref<1x200x128xf32, #tpu.memory_space<vmem>> -> memref<200x128xf32, #tpu.memory_space<vmem>>
        %dma_wait3A_228 = arith.constant 0 : i32
        %dma_wait3A_229 = tpu.memref_slice %arg4[%add3A_175, %dma_wait3A_228] : memref<819200x128xf32, #tpu.memory_space<hbm>> -> memref<200x128xf32, #tpu.memory_space<hbm>>
        %dma_wait3A_230 = arith.constant 0 : i32
        %dma_wait3A_231 = tpu.memref_slice %arg4[%add3A_175, %dma_wait3A_230] : memref<819200x128xf32, #tpu.memory_space<hbm>> -> memref<200x128xf32, #tpu.memory_space<hbm>>
        %dma_wait3A_232 = arith.constant 0 : i32
        %dma_wait3A_233 = arith.constant 0 : i32
        %dma_wait3A_234 = tpu.memref_slice %arg6[%run_scoped3A_176, %dma_wait3A_232, %dma_wait3A_233] : memref<3x200x128xf32, #tpu.memory_space<vmem>> -> memref<1x200x128xf32, #tpu.memory_space<vmem>>
        %dma_wait3A_235 = tpu.memref_squeeze %dma_wait3A_234 : memref<1x200x128xf32, #tpu.memory_space<vmem>> -> memref<200x128xf32, #tpu.memory_space<vmem>>
        tpu.wait_dma2 semaphore(%run_scoped3A_211 : memref<!tpu.dma_semaphore, #tpu.memory_space<semaphore_mem>>) src(%dma_wait3A_235 : memref<200x128xf32, #tpu.memory_space<vmem>>) dst(%dma_wait3A_231 : memref<200x128xf32, #tpu.memory_space<hbm>>)
        tpu.yield
      }) : () -> ()
      %add3A_177 = arith.constant 3 : i32
      %add3A_178 = arith.addi %add3A_160, %add3A_177 : i32
      %lt3A_179 = arith.constant 128 : i32
      %lt3A_180 = arith.cmpi slt, %add3A_178, %lt3A_179 : i32
      %convert_element_type3A_181 = arith.extui %lt3A_180 : i1 to i32
      %cond3A_182 = arith.constant 0 : i32
      %cond3A_183 = arith.cmpi ne, %convert_element_type3A_181, %cond3A_182 : i32
      scf.if %cond3A_183 {
        %add3A_211 = arith.constant 3 : i32
        %add3A_212 = arith.addi %add3A_160, %add3A_211 : i32
        %mul3A_213 = arith.constant 2 : i32
        %mul3A_214 = arith.muli %add3A_212, %mul3A_213 : i32
        %add3A_215 = arith.constant 0 : i32
        %add3A_216 = arith.addi %mul3A_214, %add3A_215 : i32
        %dma_start3A_217 = arith.constant 1 : i32
        %dma_start3A_218 = arith.constant 0 : i32
        %dma_start3A_219 = arith.constant 0 : i32
        %dma_start3A_220 = tpu.memref_slice %arg6[%dma_start3A_217, %dma_start3A_218, %dma_start3A_219] : memref<3x200x128xf32, #tpu.memory_space<vmem>> -> memref<1x200x128xf32, #tpu.memory_space<vmem>>
        %dma_start3A_221 = tpu.memref_squeeze %dma_start3A_220 : memref<1x200x128xf32, #tpu.memory_space<vmem>> -> memref<200x128xf32, #tpu.memory_space<vmem>>
        %dma_start3A_222 = arith.constant 0 : i32
        %dma_start3A_223 = arith.constant 0 : i32
        %dma_start3A_224 = tpu.memref_slice %dma_start3A_221[%dma_start3A_222, %dma_start3A_223] : memref<200x128xf32, #tpu.memory_space<vmem>> -> memref<100x128xf32, #tpu.memory_space<vmem>>
        %dma_start3A_225 = arith.constant 0 : i32
        %dma_start3A_226 = tpu.memref_slice %arg5[%add3A_216, %dma_start3A_225] : memref<256x100xi32, #tpu.memory_space<vmem>> -> memref<1x100xi32, #tpu.memory_space<vmem>>
        %dma_start3A_227 = tpu.memref_squeeze %dma_start3A_226 : memref<1x100xi32, #tpu.memory_space<vmem>> -> memref<100xi32, #tpu.memory_space<vmem>>
        %dma_start3A_228 = arith.constant 0 : i32
        %dma_start3A_229 = arith.constant 0 : i32
        %dma_start3A_230 = tpu.memref_slice %arg7[%dma_start3A_228, %dma_start3A_229] : memref<1000x128xf32, #tpu.memory_space<vmem_shared>> -> memref<1000x128xf32, #tpu.memory_space<vmem_shared>>
        tpu.enqueue_indirect_dma source(%dma_start3A_230 : memref<1000x128xf32, #tpu.memory_space<vmem_shared>>) target(%dma_start3A_224 : memref<100x128xf32, #tpu.memory_space<vmem>>) offsets(%dma_start3A_227 : memref<100xi32, #tpu.memory_space<vmem>>) semaphore(%arg9 : memref<!tpu.dma_semaphore, #tpu.memory_space<semaphore_mem>>)
        %mul3A_231 = arith.constant 2 : i32
        %mul3A_232 = arith.muli %add3A_212, %mul3A_231 : i32
        %add3A_233 = arith.constant 1 : i32
        %add3A_234 = arith.addi %mul3A_232, %add3A_233 : i32
        %dma_start3A_235 = arith.constant 1 : i32
        %dma_start3A_236 = arith.constant 0 : i32
        %dma_start3A_237 = arith.constant 0 : i32
        %dma_start3A_238 = tpu.memref_slice %arg6[%dma_start3A_235, %dma_start3A_236, %dma_start3A_237] : memref<3x200x128xf32, #tpu.memory_space<vmem>> -> memref<1x200x128xf32, #tpu.memory_space<vmem>>
        %dma_start3A_239 = tpu.memref_squeeze %dma_start3A_238 : memref<1x200x128xf32, #tpu.memory_space<vmem>> -> memref<200x128xf32, #tpu.memory_space<vmem>>
        %dma_start3A_240 = arith.constant 100 : i32
        %dma_start3A_241 = arith.constant 0 : i32
        %dma_start3A_242 = tpu.memref_slice %dma_start3A_239[%dma_start3A_240, %dma_start3A_241] : memref<200x128xf32, #tpu.memory_space<vmem>> -> memref<100x128xf32, #tpu.memory_space<vmem>>
        %dma_start3A_243 = arith.constant 0 : i32
        %dma_start3A_244 = tpu.memref_slice %arg5[%add3A_234, %dma_start3A_243] : memref<256x100xi32, #tpu.memory_space<vmem>> -> memref<1x100xi32, #tpu.memory_space<vmem>>
        %dma_start3A_245 = tpu.memref_squeeze %dma_start3A_244 : memref<1x100xi32, #tpu.memory_space<vmem>> -> memref<100xi32, #tpu.memory_space<vmem>>
        %dma_start3A_246 = arith.constant 0 : i32
        %dma_start3A_247 = arith.constant 0 : i32
        %dma_start3A_248 = tpu.memref_slice %arg7[%dma_start3A_246, %dma_start3A_247] : memref<1000x128xf32, #tpu.memory_space<vmem_shared>> -> memref<1000x128xf32, #tpu.memory_space<vmem_shared>>
        tpu.enqueue_indirect_dma source(%dma_start3A_248 : memref<1000x128xf32, #tpu.memory_space<vmem_shared>>) target(%dma_start3A_242 : memref<100x128xf32, #tpu.memory_space<vmem>>) offsets(%dma_start3A_245 : memref<100xi32, #tpu.memory_space<vmem>>) semaphore(%arg9 : memref<!tpu.dma_semaphore, #tpu.memory_space<semaphore_mem>>)
      } else {
      }
      %mul3A_184 = arith.constant 3 : i32
      %mul3A_185 = arith.muli %scan3A_129, %mul3A_184 : i32
      %add3A_186 = arith.constant 2 : i32
      %add3A_187 = arith.addi %mul3A_185, %add3A_186 : i32
      %dma_wait3A_188 = arith.constant 0 : i32
      %dma_wait3A_189 = arith.constant 2 : i32
      %dma_wait3A_190 = arith.constant 0 : i32
      %dma_wait3A_191 = arith.constant 0 : i32
      %dma_wait3A_192 = tpu.memref_slice %arg6[%dma_wait3A_189, %dma_wait3A_190, %dma_wait3A_191] : memref<3x200x128xf32, #tpu.memory_space<vmem>> -> memref<1x200x128xf32, #tpu.memory_space<vmem>>
      %dma_wait3A_193 = tpu.memref_squeeze %dma_wait3A_192 : memref<1x200x128xf32, #tpu.memory_space<vmem>> -> memref<200x128xf32, #tpu.memory_space<vmem>>
      %dma_wait3A_194 = arith.constant 0 : i32
      %dma_wait3A_195 = tpu.memref_slice %arg5[%dma_wait3A_188, %dma_wait3A_194] : memref<256x100xi32, #tpu.memory_space<vmem>> -> memref<1x100xi32, #tpu.memory_space<vmem>>
      %dma_wait3A_196 = tpu.memref_squeeze %dma_wait3A_195 : memref<1x100xi32, #tpu.memory_space<vmem>> -> memref<100xi32, #tpu.memory_space<vmem>>
      %dma_wait3A_197 = arith.constant 0 : i32
      %dma_wait3A_198 = arith.constant 0 : i32
      %dma_wait3A_199 = tpu.memref_slice %arg7[%dma_wait3A_197, %dma_wait3A_198] : memref<1000x128xf32, #tpu.memory_space<vmem_shared>> -> memref<1000x128xf32, #tpu.memory_space<vmem_shared>>
      tpu.wait_indirect_dma semaphore(%arg10 : memref<!tpu.dma_semaphore, #tpu.memory_space<semaphore_mem>>) src(%dma_wait3A_199 : memref<1000x128xf32, #tpu.memory_space<vmem_shared>>) dst(%dma_wait3A_193 : memref<200x128xf32, #tpu.memory_space<vmem>>)
      %mul3A_200 = arith.constant 200 : i32
      %mul3A_201 = arith.muli %add3A_187, %mul3A_200 : i32
      %add3A_202 = arith.addi %mul3A_2, %mul3A_201 : i32
      %run_scoped3A_203 = arith.constant 2 : i32
      "tpu.region"() ({
        %run_scoped3A_211 = tpu.sem_alloc : memref<!tpu.dma_semaphore, #tpu.memory_space<semaphore_mem>>
        %dma_start3A_212 = arith.constant 0 : i32
        %dma_start3A_213 = arith.constant 0 : i32
        %dma_start3A_214 = tpu.memref_slice %arg6[%run_scoped3A_203, %dma_start3A_212, %dma_start3A_213] : memref<3x200x128xf32, #tpu.memory_space<vmem>> -> memref<1x200x128xf32, #tpu.memory_space<vmem>>
        %dma_start3A_215 = tpu.memref_squeeze %dma_start3A_214 : memref<1x200x128xf32, #tpu.memory_space<vmem>> -> memref<200x128xf32, #tpu.memory_space<vmem>>
        %dma_start3A_216 = arith.constant 0 : i32
        %dma_start3A_217 = tpu.memref_slice %arg4[%add3A_202, %dma_start3A_216] : memref<819200x128xf32, #tpu.memory_space<hbm>> -> memref<200x128xf32, #tpu.memory_space<hbm>>
        %dma_start3A_218 = arith.constant 0 : i32
        %dma_start3A_219 = tpu.memref_slice %arg4[%add3A_202, %dma_start3A_218] : memref<819200x128xf32, #tpu.memory_space<hbm>> -> memref<200x128xf32, #tpu.memory_space<hbm>>
        %dma_start3A_220 = arith.constant 0 : i32
        %dma_start3A_221 = arith.constant 0 : i32
        %dma_start3A_222 = tpu.memref_slice %arg6[%run_scoped3A_203, %dma_start3A_220, %dma_start3A_221] : memref<3x200x128xf32, #tpu.memory_space<vmem>> -> memref<1x200x128xf32, #tpu.memory_space<vmem>>
        %dma_start3A_223 = tpu.memref_squeeze %dma_start3A_222 : memref<1x200x128xf32, #tpu.memory_space<vmem>> -> memref<200x128xf32, #tpu.memory_space<vmem>>
        tpu.enqueue_dma source(%dma_start3A_223 : memref<200x128xf32, #tpu.memory_space<vmem>>) target(%dma_start3A_219 : memref<200x128xf32, #tpu.memory_space<hbm>>) target_semaphore(%run_scoped3A_211 : memref<!tpu.dma_semaphore, #tpu.memory_space<semaphore_mem>>)
        %dma_wait3A_224 = arith.constant 0 : i32
        %dma_wait3A_225 = arith.constant 0 : i32
        %dma_wait3A_226 = tpu.memref_slice %arg6[%run_scoped3A_203, %dma_wait3A_224, %dma_wait3A_225] : memref<3x200x128xf32, #tpu.memory_space<vmem>> -> memref<1x200x128xf32, #tpu.memory_space<vmem>>
        %dma_wait3A_227 = tpu.memref_squeeze %dma_wait3A_226 : memref<1x200x128xf32, #tpu.memory_space<vmem>> -> memref<200x128xf32, #tpu.memory_space<vmem>>
        %dma_wait3A_228 = arith.constant 0 : i32
        %dma_wait3A_229 = tpu.memref_slice %arg4[%add3A_202, %dma_wait3A_228] : memref<819200x128xf32, #tpu.memory_space<hbm>> -> memref<200x128xf32, #tpu.memory_space<hbm>>
        %dma_wait3A_230 = arith.constant 0 : i32
        %dma_wait3A_231 = tpu.memref_slice %arg4[%add3A_202, %dma_wait3A_230] : memref<819200x128xf32, #tpu.memory_space<hbm>> -> memref<200x128xf32, #tpu.memory_space<hbm>>
        %dma_wait3A_232 = arith.constant 0 : i32
        %dma_wait3A_233 = arith.constant 0 : i32
        %dma_wait3A_234 = tpu.memref_slice %arg6[%run_scoped3A_203, %dma_wait3A_232, %dma_wait3A_233] : memref<3x200x128xf32, #tpu.memory_space<vmem>> -> memref<1x200x128xf32, #tpu.memory_space<vmem>>
        %dma_wait3A_235 = tpu.memref_squeeze %dma_wait3A_234 : memref<1x200x128xf32, #tpu.memory_space<vmem>> -> memref<200x128xf32, #tpu.memory_space<vmem>>
        tpu.wait_dma2 semaphore(%run_scoped3A_211 : memref<!tpu.dma_semaphore, #tpu.memory_space<semaphore_mem>>) src(%dma_wait3A_235 : memref<200x128xf32, #tpu.memory_space<vmem>>) dst(%dma_wait3A_231 : memref<200x128xf32, #tpu.memory_space<hbm>>)
        tpu.yield
      }) : () -> ()
      %add3A_204 = arith.constant 3 : i32
      %add3A_205 = arith.addi %add3A_187, %add3A_204 : i32
      %lt3A_206 = arith.constant 128 : i32
      %lt3A_207 = arith.cmpi slt, %add3A_205, %lt3A_206 : i32
      %convert_element_type3A_208 = arith.extui %lt3A_207 : i1 to i32
      %cond3A_209 = arith.constant 0 : i32
      %cond3A_210 = arith.cmpi ne, %convert_element_type3A_208, %cond3A_209 : i32
      scf.if %cond3A_210 {
        %add3A_211 = arith.constant 3 : i32
        %add3A_212 = arith.addi %add3A_187, %add3A_211 : i32
        %mul3A_213 = arith.constant 2 : i32
        %mul3A_214 = arith.muli %add3A_212, %mul3A_213 : i32
        %add3A_215 = arith.constant 0 : i32
        %add3A_216 = arith.addi %mul3A_214, %add3A_215 : i32
        %dma_start3A_217 = arith.constant 2 : i32
        %dma_start3A_218 = arith.constant 0 : i32
        %dma_start3A_219 = arith.constant 0 : i32
        %dma_start3A_220 = tpu.memref_slice %arg6[%dma_start3A_217, %dma_start3A_218, %dma_start3A_219] : memref<3x200x128xf32, #tpu.memory_space<vmem>> -> memref<1x200x128xf32, #tpu.memory_space<vmem>>
        %dma_start3A_221 = tpu.memref_squeeze %dma_start3A_220 : memref<1x200x128xf32, #tpu.memory_space<vmem>> -> memref<200x128xf32, #tpu.memory_space<vmem>>
        %dma_start3A_222 = arith.constant 0 : i32
        %dma_start3A_223 = arith.constant 0 : i32
        %dma_start3A_224 = tpu.memref_slice %dma_start3A_221[%dma_start3A_222, %dma_start3A_223] : memref<200x128xf32, #tpu.memory_space<vmem>> -> memref<100x128xf32, #tpu.memory_space<vmem>>
        %dma_start3A_225 = arith.constant 0 : i32
        %dma_start3A_226 = tpu.memref_slice %arg5[%add3A_216, %dma_start3A_225] : memref<256x100xi32, #tpu.memory_space<vmem>> -> memref<1x100xi32, #tpu.memory_space<vmem>>
        %dma_start3A_227 = tpu.memref_squeeze %dma_start3A_226 : memref<1x100xi32, #tpu.memory_space<vmem>> -> memref<100xi32, #tpu.memory_space<vmem>>
        %dma_start3A_228 = arith.constant 0 : i32
        %dma_start3A_229 = arith.constant 0 : i32
        %dma_start3A_230 = tpu.memref_slice %arg7[%dma_start3A_228, %dma_start3A_229] : memref<1000x128xf32, #tpu.memory_space<vmem_shared>> -> memref<1000x128xf32, #tpu.memory_space<vmem_shared>>
        tpu.enqueue_indirect_dma source(%dma_start3A_230 : memref<1000x128xf32, #tpu.memory_space<vmem_shared>>) target(%dma_start3A_224 : memref<100x128xf32, #tpu.memory_space<vmem>>) offsets(%dma_start3A_227 : memref<100xi32, #tpu.memory_space<vmem>>) semaphore(%arg10 : memref<!tpu.dma_semaphore, #tpu.memory_space<semaphore_mem>>)
        %mul3A_231 = arith.constant 2 : i32
        %mul3A_232 = arith.muli %add3A_212, %mul3A_231 : i32
        %add3A_233 = arith.constant 1 : i32
        %add3A_234 = arith.addi %mul3A_232, %add3A_233 : i32
        %dma_start3A_235 = arith.constant 2 : i32
        %dma_start3A_236 = arith.constant 0 : i32
        %dma_start3A_237 = arith.constant 0 : i32
        %dma_start3A_238 = tpu.memref_slice %arg6[%dma_start3A_235, %dma_start3A_236, %dma_start3A_237] : memref<3x200x128xf32, #tpu.memory_space<vmem>> -> memref<1x200x128xf32, #tpu.memory_space<vmem>>
        %dma_start3A_239 = tpu.memref_squeeze %dma_start3A_238 : memref<1x200x128xf32, #tpu.memory_space<vmem>> -> memref<200x128xf32, #tpu.memory_space<vmem>>
        %dma_start3A_240 = arith.constant 100 : i32
        %dma_start3A_241 = arith.constant 0 : i32
        %dma_start3A_242 = tpu.memref_slice %dma_start3A_239[%dma_start3A_240, %dma_start3A_241] : memref<200x128xf32, #tpu.memory_space<vmem>> -> memref<100x128xf32, #tpu.memory_space<vmem>>
        %dma_start3A_243 = arith.constant 0 : i32
        %dma_start3A_244 = tpu.memref_slice %arg5[%add3A_234, %dma_start3A_243] : memref<256x100xi32, #tpu.memory_space<vmem>> -> memref<1x100xi32, #tpu.memory_space<vmem>>
        %dma_start3A_245 = tpu.memref_squeeze %dma_start3A_244 : memref<1x100xi32, #tpu.memory_space<vmem>> -> memref<100xi32, #tpu.memory_space<vmem>>
        %dma_start3A_246 = arith.constant 0 : i32
        %dma_start3A_247 = arith.constant 0 : i32
        %dma_start3A_248 = tpu.memref_slice %arg7[%dma_start3A_246, %dma_start3A_247] : memref<1000x128xf32, #tpu.memory_space<vmem_shared>> -> memref<1000x128xf32, #tpu.memory_space<vmem_shared>>
        tpu.enqueue_indirect_dma source(%dma_start3A_248 : memref<1000x128xf32, #tpu.memory_space<vmem_shared>>) target(%dma_start3A_242 : memref<100x128xf32, #tpu.memory_space<vmem>>) offsets(%dma_start3A_245 : memref<100xi32, #tpu.memory_space<vmem>>) semaphore(%arg10 : memref<!tpu.dma_semaphore, #tpu.memory_space<semaphore_mem>>)
      } else {
      }
    }
    %scan3A_100 = arith.constant 42 : i32
    %dma_wait3A = arith.constant 0 : i32
    %dma_wait3A_101 = arith.constant 0 : i32
    %dma_wait3A_102 = arith.constant 0 : i32
    %dma_wait3A_103 = arith.constant 0 : i32
    %dma_wait3A_104 = tpu.memref_slice %arg6[%dma_wait3A_101, %dma_wait3A_102, %dma_wait3A_103] : memref<3x200x128xf32, #tpu.memory_space<vmem>> -> memref<1x200x128xf32, #tpu.memory_space<vmem>>
    %dma_wait3A_105 = tpu.memref_squeeze %dma_wait3A_104 : memref<1x200x128xf32, #tpu.memory_space<vmem>> -> memref<200x128xf32, #tpu.memory_space<vmem>>
    %dma_wait3A_106 = arith.constant 0 : i32
    %dma_wait3A_107 = tpu.memref_slice %arg5[%dma_wait3A, %dma_wait3A_106] : memref<256x100xi32, #tpu.memory_space<vmem>> -> memref<1x100xi32, #tpu.memory_space<vmem>>
    %dma_wait3A_108 = tpu.memref_squeeze %dma_wait3A_107 : memref<1x100xi32, #tpu.memory_space<vmem>> -> memref<100xi32, #tpu.memory_space<vmem>>
    %dma_wait3A_109 = arith.constant 0 : i32
    %dma_wait3A_110 = arith.constant 0 : i32
    %dma_wait3A_111 = tpu.memref_slice %arg7[%dma_wait3A_109, %dma_wait3A_110] : memref<1000x128xf32, #tpu.memory_space<vmem_shared>> -> memref<1000x128xf32, #tpu.memory_space<vmem_shared>>
    tpu.wait_indirect_dma semaphore(%arg8 : memref<!tpu.dma_semaphore, #tpu.memory_space<semaphore_mem>>) src(%dma_wait3A_111 : memref<1000x128xf32, #tpu.memory_space<vmem_shared>>) dst(%dma_wait3A_105 : memref<200x128xf32, #tpu.memory_space<vmem>>)
    %add3A_112 = arith.constant 25200 : i32
    %add3A_113 = arith.addi %mul3A_2, %add3A_112 : i32
    %run_scoped3A = arith.constant 0 : i32
    "tpu.region"() ({
      %run_scoped3A_129 = tpu.sem_alloc : memref<!tpu.dma_semaphore, #tpu.memory_space<semaphore_mem>>
      %dma_start3A_130 = arith.constant 0 : i32
      %dma_start3A_131 = arith.constant 0 : i32
      %dma_start3A_132 = tpu.memref_slice %arg6[%run_scoped3A, %dma_start3A_130, %dma_start3A_131] : memref<3x200x128xf32, #tpu.memory_space<vmem>> -> memref<1x200x128xf32, #tpu.memory_space<vmem>>
      %dma_start3A_133 = tpu.memref_squeeze %dma_start3A_132 : memref<1x200x128xf32, #tpu.memory_space<vmem>> -> memref<200x128xf32, #tpu.memory_space<vmem>>
      %dma_start3A_134 = arith.constant 0 : i32
      %dma_start3A_135 = tpu.memref_slice %arg4[%add3A_113, %dma_start3A_134] : memref<819200x128xf32, #tpu.memory_space<hbm>> -> memref<200x128xf32, #tpu.memory_space<hbm>>
      %dma_start3A_136 = arith.constant 0 : i32
      %dma_start3A_137 = tpu.memref_slice %arg4[%add3A_113, %dma_start3A_136] : memref<819200x128xf32, #tpu.memory_space<hbm>> -> memref<200x128xf32, #tpu.memory_space<hbm>>
      %dma_start3A_138 = arith.constant 0 : i32
      %dma_start3A_139 = arith.constant 0 : i32
      %dma_start3A_140 = tpu.memref_slice %arg6[%run_scoped3A, %dma_start3A_138, %dma_start3A_139] : memref<3x200x128xf32, #tpu.memory_space<vmem>> -> memref<1x200x128xf32, #tpu.memory_space<vmem>>
      %dma_start3A_141 = tpu.memref_squeeze %dma_start3A_140 : memref<1x200x128xf32, #tpu.memory_space<vmem>> -> memref<200x128xf32, #tpu.memory_space<vmem>>
      tpu.enqueue_dma source(%dma_start3A_141 : memref<200x128xf32, #tpu.memory_space<vmem>>) target(%dma_start3A_137 : memref<200x128xf32, #tpu.memory_space<hbm>>) target_semaphore(%run_scoped3A_129 : memref<!tpu.dma_semaphore, #tpu.memory_space<semaphore_mem>>)
      %dma_wait3A_142 = arith.constant 0 : i32
      %dma_wait3A_143 = arith.constant 0 : i32
      %dma_wait3A_144 = tpu.memref_slice %arg6[%run_scoped3A, %dma_wait3A_142, %dma_wait3A_143] : memref<3x200x128xf32, #tpu.memory_space<vmem>> -> memref<1x200x128xf32, #tpu.memory_space<vmem>>
      %dma_wait3A_145 = tpu.memref_squeeze %dma_wait3A_144 : memref<1x200x128xf32, #tpu.memory_space<vmem>> -> memref<200x128xf32, #tpu.memory_space<vmem>>
      %dma_wait3A_146 = arith.constant 0 : i32
      %dma_wait3A_147 = tpu.memref_slice %arg4[%add3A_113, %dma_wait3A_146] : memref<819200x128xf32, #tpu.memory_space<hbm>> -> memref<200x128xf32, #tpu.memory_space<hbm>>
      %dma_wait3A_148 = arith.constant 0 : i32
      %dma_wait3A_149 = tpu.memref_slice %arg4[%add3A_113, %dma_wait3A_148] : memref<819200x128xf32, #tpu.memory_space<hbm>> -> memref<200x128xf32, #tpu.memory_space<hbm>>
      %dma_wait3A_150 = arith.constant 0 : i32
      %dma_wait3A_151 = arith.constant 0 : i32
      %dma_wait3A_152 = tpu.memref_slice %arg6[%run_scoped3A, %dma_wait3A_150, %dma_wait3A_151] : memref<3x200x128xf32, #tpu.memory_space<vmem>> -> memref<1x200x128xf32, #tpu.memory_space<vmem>>
      %dma_wait3A_153 = tpu.memref_squeeze %dma_wait3A_152 : memref<1x200x128xf32, #tpu.memory_space<vmem>> -> memref<200x128xf32, #tpu.memory_space<vmem>>
      tpu.wait_dma2 semaphore(%run_scoped3A_129 : memref<!tpu.dma_semaphore, #tpu.memory_space<semaphore_mem>>) src(%dma_wait3A_153 : memref<200x128xf32, #tpu.memory_space<vmem>>) dst(%dma_wait3A_149 : memref<200x128xf32, #tpu.memory_space<hbm>>)
      tpu.yield
    }) : () -> ()
    %dma_wait3A_114 = arith.constant 0 : i32
    %dma_wait3A_115 = arith.constant 1 : i32
    %dma_wait3A_116 = arith.constant 0 : i32
    %dma_wait3A_117 = arith.constant 0 : i32
    %dma_wait3A_118 = tpu.memref_slice %arg6[%dma_wait3A_115, %dma_wait3A_116, %dma_wait3A_117] : memref<3x200x128xf32, #tpu.memory_space<vmem>> -> memref<1x200x128xf32, #tpu.memory_space<vmem>>
    %dma_wait3A_119 = tpu.memref_squeeze %dma_wait3A_118 : memref<1x200x128xf32, #tpu.memory_space<vmem>> -> memref<200x128xf32, #tpu.memory_space<vmem>>
    %dma_wait3A_120 = arith.constant 0 : i32
    %dma_wait3A_121 = tpu.memref_slice %arg5[%dma_wait3A_114, %dma_wait3A_120] : memref<256x100xi32, #tpu.memory_space<vmem>> -> memref<1x100xi32, #tpu.memory_space<vmem>>
    %dma_wait3A_122 = tpu.memref_squeeze %dma_wait3A_121 : memref<1x100xi32, #tpu.memory_space<vmem>> -> memref<100xi32, #tpu.memory_space<vmem>>
    %dma_wait3A_123 = arith.constant 0 : i32
    %dma_wait3A_124 = arith.constant 0 : i32
    %dma_wait3A_125 = tpu.memref_slice %arg7[%dma_wait3A_123, %dma_wait3A_124] : memref<1000x128xf32, #tpu.memory_space<vmem_shared>> -> memref<1000x128xf32, #tpu.memory_space<vmem_shared>>
    tpu.wait_indirect_dma semaphore(%arg9 : memref<!tpu.dma_semaphore, #tpu.memory_space<semaphore_mem>>) src(%dma_wait3A_125 : memref<1000x128xf32, #tpu.memory_space<vmem_shared>>) dst(%dma_wait3A_119 : memref<200x128xf32, #tpu.memory_space<vmem>>)
    %add3A_126 = arith.constant 25400 : i32
    %add3A_127 = arith.addi %mul3A_2, %add3A_126 : i32
    %run_scoped3A_128 = arith.constant 1 : i32
    "tpu.region"() ({
      %run_scoped3A_129 = tpu.sem_alloc : memref<!tpu.dma_semaphore, #tpu.memory_space<semaphore_mem>>
      %dma_start3A_130 = arith.constant 0 : i32
      %dma_start3A_131 = arith.constant 0 : i32
      %dma_start3A_132 = tpu.memref_slice %arg6[%run_scoped3A_128, %dma_start3A_130, %dma_start3A_131] : memref<3x200x128xf32, #tpu.memory_space<vmem>> -> memref<1x200x128xf32, #tpu.memory_space<vmem>>
      %dma_start3A_133 = tpu.memref_squeeze %dma_start3A_132 : memref<1x200x128xf32, #tpu.memory_space<vmem>> -> memref<200x128xf32, #tpu.memory_space<vmem>>
      %dma_start3A_134 = arith.constant 0 : i32
      %dma_start3A_135 = tpu.memref_slice %arg4[%add3A_127, %dma_start3A_134] : memref<819200x128xf32, #tpu.memory_space<hbm>> -> memref<200x128xf32, #tpu.memory_space<hbm>>
      %dma_start3A_136 = arith.constant 0 : i32
      %dma_start3A_137 = tpu.memref_slice %arg4[%add3A_127, %dma_start3A_136] : memref<819200x128xf32, #tpu.memory_space<hbm>> -> memref<200x128xf32, #tpu.memory_space<hbm>>
      %dma_start3A_138 = arith.constant 0 : i32
      %dma_start3A_139 = arith.constant 0 : i32
      %dma_start3A_140 = tpu.memref_slice %arg6[%run_scoped3A_128, %dma_start3A_138, %dma_start3A_139] : memref<3x200x128xf32, #tpu.memory_space<vmem>> -> memref<1x200x128xf32, #tpu.memory_space<vmem>>
      %dma_start3A_141 = tpu.memref_squeeze %dma_start3A_140 : memref<1x200x128xf32, #tpu.memory_space<vmem>> -> memref<200x128xf32, #tpu.memory_space<vmem>>
      tpu.enqueue_dma source(%dma_start3A_141 : memref<200x128xf32, #tpu.memory_space<vmem>>) target(%dma_start3A_137 : memref<200x128xf32, #tpu.memory_space<hbm>>) target_semaphore(%run_scoped3A_129 : memref<!tpu.dma_semaphore, #tpu.memory_space<semaphore_mem>>)
      %dma_wait3A_142 = arith.constant 0 : i32
      %dma_wait3A_143 = arith.constant 0 : i32
      %dma_wait3A_144 = tpu.memref_slice %arg6[%run_scoped3A_128, %dma_wait3A_142, %dma_wait3A_143] : memref<3x200x128xf32, #tpu.memory_space<vmem>> -> memref<1x200x128xf32, #tpu.memory_space<vmem>>
      %dma_wait3A_145 = tpu.memref_squeeze %dma_wait3A_144 : memref<1x200x128xf32, #tpu.memory_space<vmem>> -> memref<200x128xf32, #tpu.memory_space<vmem>>
      %dma_wait3A_146 = arith.constant 0 : i32
      %dma_wait3A_147 = tpu.memref_slice %arg4[%add3A_127, %dma_wait3A_146] : memref<819200x128xf32, #tpu.memory_space<hbm>> -> memref<200x128xf32, #tpu.memory_space<hbm>>
      %dma_wait3A_148 = arith.constant 0 : i32
      %dma_wait3A_149 = tpu.memref_slice %arg4[%add3A_127, %dma_wait3A_148] : memref<819200x128xf32, #tpu.memory_space<hbm>> -> memref<200x128xf32, #tpu.memory_space<hbm>>
      %dma_wait3A_150 = arith.constant 0 : i32
      %dma_wait3A_151 = arith.constant 0 : i32
      %dma_wait3A_152 = tpu.memref_slice %arg6[%run_scoped3A_128, %dma_wait3A_150, %dma_wait3A_151] : memref<3x200x128xf32, #tpu.memory_space<vmem>> -> memref<1x200x128xf32, #tpu.memory_space<vmem>>
      %dma_wait3A_153 = tpu.memref_squeeze %dma_wait3A_152 : memref<1x200x128xf32, #tpu.memory_space<vmem>> -> memref<200x128xf32, #tpu.memory_space<vmem>>
      tpu.wait_dma2 semaphore(%run_scoped3A_129 : memref<!tpu.dma_semaphore, #tpu.memory_space<semaphore_mem>>) src(%dma_wait3A_153 : memref<200x128xf32, #tpu.memory_space<vmem>>) dst(%dma_wait3A_149 : memref<200x128xf32, #tpu.memory_space<hbm>>)
      tpu.yield
    }) : () -> ()
    return
  }
}

</mosaic_0001>

<sc_bundles>
// kernel: kernel.3.cloned.1.call-start
scs
__scs_entry_jumppad:
0x0: {  	(pc) =	sbr.rel $0x88, $3  }
0x1: {  	(tag) =	ssettag $0x0;
	lr =	simm.s32 $0x1  }
0x2: {  	[smem:$0x3F9F] =	sst lr;
	_ =	strace $0xD0000000  }
0x3: {  	_ = 	snop  }
0x4: {  	_ = 	snop  }
0x5: {  	_ = 	snop  }
0x6: {  	_ = 	snop  }
0x7: {  	_ = 	snop  }
__scs_overlays_trampoline_lowered:
0x8: {  	[smem:$0x3FAE] =	sst s0  }
0x9: {  	[smem:$0x3FAF] =	sst s1  }
0xa: {  	[smem:$0x3FB0] =	sst s2  }
0xb: {  	[smem:$0x3FB1] =	sst s3  }
0xc: {  	[smem:$0x3FB2] =	sst s4  }
0xd: {  	[smem:$0x3FB3] =	sst s5  }
0xe: {  	[smem:$0x3FB4] =	sst s6  }
0xf: {  	[smem:$0x3FB5] =	sst s7  }
0x10: {  	[smem:$0x3FB6] =	sst s8  }
0x11: {  	[smem:$0x3FB7] =	sst s9;
	s0 =	simm.s32 @!p0 $0x0  }
0x12: {  	s1 =	sld [smem:$0x3F9D];
	s0 =	simm.s32 @p0 $0x1  }
0x13: {  	[smem:$0x3FB8] =	sst s0;
	s0 =	simm.s32 @!p1 $0x0  }
0x14: {  	s2 =	sld [smem:$0x3F9C];
	s0 =	simm.s32 @p1 $0x1  }
0x15: {  	[smem:$0x3FB9] =	sst s0;
	s0 =	simm.s32 @!p2 $0x0  }
0x16: {  	s3 =	sld [smem:$0x3FDB];
	s0 =	simm.s32 @p2 $0x1  }
0x17: {  	s4 =	simm.s32 $0x1BF5;
	[smem:$0x3FBB] =	sst s0  }
0x18: {  	s0 =	sld [smem:$0x3F9E];
	_ =	swait.ge [sflag:s4], $0x0  }
0x19: {  	s7 =	sld [smem:$0x3F9F]  }
0x1a: {  	s8 =	sadd.s32 $0xFFFFE003, lr  }
0x1b: {  	s9 =	sadd.s32 $0xFFFFFEF7, lr;
	s5 =	simm.s32 $0xFFFFFFFF;
	p2 =	slt.u32 s8, $0xFFFFF086  }
0x1c: {  	p1 =	slt.u32 s9, $0xF7A;
	s5 =	simm.s32 @!p2 $0x0  }
0x1d: {  	s5 =	simm.s32 @p1 $0x1;
	p0 =	seq.s32 s7, s2  }
0x1e: {  	s7 =	smul.u32 @!p0 $0xF7A, s2;
	p2 =	seq.s32 @!p0 s5, $0x0  }
0x1f: {  	s9 =	smul.u32 $0xF7A, s1;
	s8 =	simm.s32 @!p0 $0x1BF5;
	p2 =	por !p2, p0  }
0x20: {  	[sflag:s8] =	ssyncset.s32 @!p0 $0xFFFFF086;
	s6 =	sadd.s32 @!p0 s3, s7;
	s7 =	simm.s32 @!p0 $0x108  }
0x21: {  	s3 =	sadd.s32 s3, s9;
	s6 =	sadd.s32 @!p0 $0x88, s6;
	s7 =	simm.s32 @p2 $0x1082  }
0x22: {  	[simem:s7], [sflag:s8] =	dma.local @!p0 [hbm:s6], $0xF7A  }
0x23: {  	s9 =	sor.u32 $0xD0000000, s2;
	s6 =	simm.s32 $0x108;
	_ =	swait.ge @!p0 [sflag:s8], $0x0  }
0x24: {  	s3 =	sadd.s32 $0x88, s3;
	s6 =	simm.s32 @!p1 $0x1082;
	[sflag:s4] =	ssyncset.s32 $0xFFFFF086  }
0x25: {  	[simem:s6], [sflag:s4] =	dma.local [hbm:s3], $0xF7A  }
0x26: {  	[smem:$0x3F9F] =	sst s1;
	(tag) =	ssettag s2;
	_ =	strace s9  }
0x27: {  	s1 =	sld [smem:$0x3FAF]  }
0x28: {  	s2 =	sld [smem:$0x3FB0]  }
0x29: {  	s4 =	sld [smem:$0x3FB2]  }
0x2a: {  	p0 =	seq.s32 s5, $0x0;
	s5 =	sld [smem:$0x3FB3]  }
0x2b: {  	s6 =	sld [smem:$0x3FB4]  }
0x2c: {  	s7 =	sld [smem:$0x3FB5]  }
0x2d: {  	s3 =	simm.s32 $0x108;
	s8 =	sld [smem:$0x3FB6]  }
0x2e: {  	s3 =	simm.s32 @!p0 $0x1082;
	s9 =	sld [smem:$0x3FB7]  }
0x2f: {  	lr =	sadd.s32 s0, s3;
	s0 =	sld [smem:$0x3FAE]  }
0x30: {  	s3 =	sld [smem:$0x3FB1]  }
0x31: {  	[smem:$0x3FBA] =	sst s10  }
0x32: {  	s10 =	sld [smem:$0x3FB8];
	_ =	sdelay $0x3  }
0x33: {  	p0 =	seq.s32 s10, $0x1;
	s10 =	sld [smem:$0x3FBA];
	_ =	sdelay $0x3  }
0x34: {  	[smem:$0x3FBA] =	sst s10  }
0x35: {  	s10 =	sld [smem:$0x3FB9];
	_ =	sdelay $0x3  }
0x36: {  	p1 =	seq.s32 s10, $0x1;
	s10 =	sld [smem:$0x3FBA];
	_ =	sdelay $0x3  }
0x37: {  	[smem:$0x3FBA] =	sst s10  }
0x38: {  	s10 =	sld [smem:$0x3FBB]  }
0x39: {  	_ = 	snop;
	(pc) =	sbr.ind lr, $3  }
0x3a: {  	_ = 	snop  }
0x3b: {  	_ = 	snop  }
0x3c: {  	p2 =	seq.s32 s10, $0x1;
	s10 =	sld [smem:$0x3FBA]  }
0x3d: {  	_ =	shalt  }
0x3e: {  	_ =	shalt  }
0x3f: {  	_ =	shalt  }
0x40: {  	_ =	shalt  }
0x41: {  	_ =	shalt  }
0x42: {  	_ =	shalt  }
0x43: {  	_ =	shalt  }
0x44: {  	_ =	shalt  }
0x45: {  	_ =	shalt  }
0x46: {  	_ =	shalt  }
0x47: {  	_ =	shalt  }
0x48: {  	_ =	shalt  }
0x49: {  	_ =	shalt  }
0x4a: {  	_ =	shalt  }
0x4b: {  	_ =	shalt  }
0x4c: {  	_ =	shalt  }
0x4d: {  	_ =	shalt  }
0x4e: {  	_ =	shalt  }
0x4f: {  	_ =	shalt  }
0x50: {  	_ =	shalt  }
0x51: {  	_ =	shalt  }
0x52: {  	_ =	shalt  }
0x53: {  	_ =	shalt  }
0x54: {  	_ =	shalt  }
0x55: {  	_ =	shalt  }
0x56: {  	_ =	shalt  }
0x57: {  	_ =	shalt  }
0x58: {  	_ =	shalt  }
0x59: {  	_ =	shalt  }
0x5a: {  	_ =	shalt  }
0x5b: {  	_ =	shalt  }
0x5c: {  	_ =	shalt  }
0x5d: {  	_ =	shalt  }
0x5e: {  	_ =	shalt  }
0x5f: {  	_ =	shalt  }
0x60: {  	_ =	shalt  }
0x61: {  	_ =	shalt  }
0x62: {  	_ =	shalt  }
0x63: {  	_ =	shalt  }
0x64: {  	_ =	shalt  }
0x65: {  	_ =	shalt  }
0x66: {  	_ =	shalt  }
0x67: {  	_ =	shalt  }
0x68: {  	_ =	shalt  }
0x69: {  	_ =	shalt  }
0x6a: {  	_ =	shalt  }
0x6b: {  	_ =	shalt  }
0x6c: {  	_ =	shalt  }
0x6d: {  	_ =	shalt  }
0x6e: {  	_ =	shalt  }
0x6f: {  	_ =	shalt  }
0x70: {  	_ =	shalt  }
0x71: {  	_ =	shalt  }
0x72: {  	_ =	shalt  }
0x73: {  	_ =	shalt  }
0x74: {  	_ =	shalt  }
0x75: {  	_ =	shalt  }
0x76: {  	_ =	shalt  }
0x77: {  	_ =	shalt  }
0x78: {  	_ =	shalt  }
0x79: {  	_ =	shalt  }
0x7a: {  	_ =	shalt  }
0x7b: {  	_ =	shalt  }
0x7c: {  	_ =	shalt  }
0x7d: {  	_ =	shalt  }
0x7e: {  	_ =	shalt  }
0x7f: {  	_ =	shalt  }
0x80: {  	_ =	shalt  }
0x81: {  	_ =	shalt  }
0x82: {  	_ =	shalt  }
0x83: {  	_ =	shalt  }
0x84: {  	_ =	shalt  }
0x85: {  	_ =	shalt  }
0x86: {  	_ =	shalt  }
0x87: {  	_ =	shalt  }
.Lfunc_end0:
.L_simem_size_0:
called_computation_lowered:
.L_overlay_start_0:
0x88: {  	s2 =	sld [smem:$0x3FD9]  }
0x89: {  	s3 =	sld [smem:$0x3FFE];
	_ =	sdelay $0x1  }
0x8a: {  	s1 =	srdreg.scid  }
0x8b: {  	s0 =	sand.u32 $0x1, s1  }
0x8c: {  	s17 =	sshll.u32 s0, $0xA;
	s2 =	sadd.s32 s3, s2  }
0x8d: {  	s2 =	sadd.s32 s2, s17  }
0x8e: {  	[smem:$0x3FC6] =	sst s2  }
0x8f: {  	_ = 	snop  }
0x90: {  	s2 =	sld [smem:$0x3FC8]  }
0x91: {  	s18 =	sld [smem:$0x3FD0];
	(tm) =	ssettm $0x1  }
0x92: {  	s4 =	sld [smem:$0x3FFB];
	_ =	sdelay $0x3  }
0x93: {  	_ =	strace s4  }
0x94: {  	s4 =	sld [smem:$0x3FFC];
	_ =	sdelay $0x3  }
0x95: {  	_ =	strace s4  }
0x96: {  	s4 =	sld [smem:$0x3FFD];
	_ =	sdelay $0x3  }
0x97: {  	_ =	strace s4  }
0x98: {  	_ =	strace $0x8FFFFFFF  }
0x99: {  	s19 =	sld [smem:$0x3FDB];
	_ =	sdelay $0x1  }
0x9a: {  	s5 =	simm.s32 $_scs_section_size  }
0x9b: {  	s6 =	simm.s32 $_size__tile_overlayer_lowered;
	s7 =	simm.s32 $_tile_overlayer_lowered  }
0x9c: {  	s22 =	simm.s32 $0x1BFF;
	s21 =	sshll.u32 s7, $0x1;
	s4 =	sadd.s32 s5, s19  }
0x9d: {  	s8 =	simm.s32 $0x0;
	s20 =	sshll.u32 s6, $0x1;
	s6 =	sadd.s32 s21, s4  }
0x9e: {  	[timem:s8], [sflag:s22] =	dma.local [hbm:s6], s20  }
0x9f: {  	_ =	swait.ge [sflag:s22], s20  }
0xa0: {  	s5 =	ssub.s32 $0x0, s20;
	[sflag:s22] =	ssyncset.done $0x0  }
0xa1: {  	[sflag:s22] =	ssyncadd.s32 s5;
	_ =	sdelay $0x1  }
0xa2: {  	s23 =	simm.s32 $0x1B8B  }
0xa3: {  	_ =	swait.ge [sflag:s23], $0x1  }
0xa4: {  	[sflag:s23] =	ssyncset.done $0x0  }
0xa5: {  	s25 =	simm.s32 $0x1B8E;
	s24 =	sld [smem:$0x3FFE];
	[sflag:s23] =	ssyncadd.s32 $0xFFFFFFFF  }
0xa6: {  	s26 =	simm.s32 $execute0_lowered;
	[smem:$0x3FD2] =	sst s25  }
0xa7: {  	s6 =	sshll.u32 s26, $0x1;
	_ =	strace $0x80000046;
	[dreg:$0x1] =	wrdreg $0xFFFFFFFF  }
0xa8: {  	s28 =	simm.s32 $_size_execute0_lowered;
	s4 =	sadd.s32 s4, s6;
	[dreg:$0x0] =	wrdreg $0x0  }
0xa9: {  	s6 =	sshll.u32 s28, $0x1;
	[dreg:$0x2] =	wrdreg s4  }
0xaa: {  	[dreg:$0x3] =	wrdreg s6  }
0xab: {  	[dreg:$0x4] =	wrdreg $0xC0  }
0xac: {  	_ =	task [dreg:s8], $0x5FFFF  }
0xad: {  	[dreg:$0x1] =	wrdreg $0xFFFFFFFF  }
0xae: {  	[dreg:$0x0] =	wrdreg $0x60  }
0xaf: {  	[dreg:$0x2] =	wrdreg s24  }
0xb0: {  	[dreg:$0x3] =	wrdreg s2  }
0xb1: {  	[dreg:$0x4] =	wrdreg s18  }
0xb2: {  	[dreg:$0x5] =	wrdreg $0x1AC000  }
0xb3: {  	[dreg:$0x6] =	wrdreg $0x9  }
0xb4: {  	_ =	task.clear_ibuf [dreg:s8], $0x7FFFF;
	_ =	strace $0x90000046  }
0xb5: {  	s29 =	simm.s32 $0x9;
	_ =	strace $0x80000048  }
0xb6: {  	_ =	swait.ge [sflag:s29], $0x1  }
0xb7: {  	[sflag:s29] =	ssyncadd.s32 $0xFFFFFFFF  }
0xb8: {  	_ =	strace $0x90000048  }
0xb9: {  	_ =	sfence  }
0xba: {  	s30 =	sld [smem:$0x0];
	_ =	sdelay $0x2  }
0xbb: {  	s31 =	sshll.u32 s1, $0xD;
	s1 =	sshrl.u32 s1, $0x2  }
0xbc: {  	s3 =	sand.u32 $0x4000, s31;
	s1 =	sadd.s32 s1, s30  }
0xbd: {  	s0 =	sor.u32 s3, s0;
	s1 =	sshll.u32 s1, $0x11  }
0xbe: {  	s0 =	sor.u32 s1, s0  }
0xbf: {  	s0 =	sadd.s32 $0x8F2B, s0  }
0xc0: {  	[sflag:s0] =	ssyncadd.remote.s32 $0x1  }
0xc1: {  	_ =	sfence.sel $0xFFFF  }
0xc2: {  	[dreg:$0x0] =	wrdreg $0xFFFFFFFF;
	(pc) =	sbr.abs _section_cstart, $3  }
0xc3: {  	[dreg:$0x1] =	wrdreg $0xFFFFFFFF  }
0xc4: {  	_ =	task.clear_ibuf [dreg:s8], $0x2FFFF;
	_ =	strace $0x9FFFFFFF  }
0xc5: {  	(tm) =	ssettm $0x7FFFFFFF  }
tec
execute0_lowered:
.L_overlay_start_1:
0x0: {  	(tag) =	ssettag $0x1  }
0x1: {  	s0 =	rddreg [dreg:$0x0]  }
0x2: {  	s1 =	rddreg [dreg:$0x1]  }
0x3: {  	s11 =	rddreg [dreg:$0x2]  }
0x4: {  	s2 =	rddreg [dreg:$0x3];
	s3 =	simm.s32 $0x0;
	s4 =	srdreg.scid  }
0x5: {  	s13 =	stileid.u32;
	s15 =	simm.s32 $0x4;
	s16 =	simm.s32 $0x64  }
0x6: {  	s17 =	simm.s32 $0x8000;
	s28 =	simm.s32 $0x17A00;
	s29 =	simm.s32 $0x1  }
0x7: {  	s30 =	simm.s32 $0x2;
	s31 =	simm.s32 $0x3;
	s6 =	smul.u32 $0x19000, s13  }
0x8: {  	s18 =	simm.s32 $0x7F00;
	[smem:$0x7FF] =	sst s3;
	s21 =	smul.u32 $0xC80, s13  }
0x9: {  	s10 =	sand.u32 $0x1, s4;
	s19 =	sshll.u32 s13, $0x1;
	s25 =	smul.u32 $0xC8000, s13  }
0xa: {  	p0 =	sgt.u32 s13, $0x4;
	s4 =	sor.u32 s10, s19;
	s5 =	ssub.s32 $0x2, s10  }
0xb: {  	_ =	strace $0x80000047;
	s12 =	smul.u32 $0x64000, s10;
	s19 =	simm.s32 $0xB200  }
0xc: {  	s7 =	sshll.u32 s4, $0xC;
	s8 =	sshrl.u32 s5, $0x1;
	s9 =	smul.u32 $0x320000, s4  }
0xd: {  	s20 =	sshrl.u32 s6, $0x2;
	s23 =	smul.u32 $0x64000, s4;
	s4 =	sadd.s32 s1, s21  }
0xe: {  	s1 =	sadd.s32 s25, s11;
	s21 =	simm.s32 $0xE400;
	s25 =	simm.s32 $0x14800  }
0xf: {  	s0 =	sadd.s32 s7, s0;
	s8 =	ssub.s32 s5, s8;
	s14 =	sadd.s32 s20, s2  }
0x10: {  	s26 =	sadd.s32 s12, s1;
	s1 =	sshll.u32 @!p0 s13, $0x6;
	s20 =	simm.s32 $0x7F80  }
0x11: {  	s22 =	sshrl.u32 s9, $0x3;
	s5 =	sadd.s32 $0x400, s0;
	s24 =	sadd.s32 s11, s23  }
0x12: {  	s8 =	smax.u32 s8, $0x1;
	s12 =	sadd.s32 $0x1900, s26;
	s13 =	sor.u32 @!p0 $0x1C04, s1  }
0x13: {  	s14 =	sshrl.u32 @!p0 s14, $0x3;
	s23 =	simm.s32 $0x11600;
	s7 =	sadd.s32 s11, s22  }
0x14: {  	s9 =	sadd.s32 $0x60180, s24;
	s10 =	sadd.s32 $0x60E00, s24;
	s11 =	sadd.s32 $0x61A80, s24  }
0x15: {  	s22 =	simm.s32 $0x0;
	s6 =	sadd.s32 $0x62700, s7;
	s7 =	sadd.s32 $0x63380, s7  }
.LBB2_1:
0x16: {  	[spmem:s14], [sflag:s13] =	dma.local @!p0 [hbm:s4], $0xC80  }
0x17: {  	s0 =	simm.s32 @!p0 $0x4  }
0x18: {  	_ =	swait.ge @!p0 [sflag:s0], $0xC80  }
0x19: {  	[sflag:s0] =	ssyncset.done @!p0 $0x0  }
0x1a: {  	[sflag:s0] =	ssyncadd.s32 @!p0 $0xFFFFF380  }
0x1b: {  	[tilespmem:s3], [sflag:$0x4] =	stream.linear.gather [hbm4b:s5+s3], $0x8000, $0x38;
	[tilespmem:$0x1CB40] =	vst v63  }
0x1c: {  	_ =	swait.ge [sflag:s15], $0x8000  }
0x1d: {  	[sflag:s15] =	ssyncset.done $0x0  }
0x1e: {  	[sflag:s15] =	ssyncadd.s32 $0xFFFF8000  }
0x1f: {  	[bflag:$0x0] =	sbarrier.arrive $0xFFFF  }
0x20: {  	[tilespmem:s17], [sflag:$0x1] =	stream.indirect.gather [spmem:s2], $0x80, s3, s16, $0xb8;
	[tilespmem:$0x1CB40] =	vst v63  }
0x21: {  	s1 =	simm.s32 $0x80  }
0x22: {  	[tilespmem:s19], [sflag:$0x1] =	stream.indirect.gather [spmem:s2], $0x80, s1, s16, $0xb8;
	[tilespmem:$0x1CB40] =	vst v63  }
0x23: {  	s24 =	simm.s32 $0x100  }
0x24: {  	[tilespmem:s21], [sflag:$0x2] =	stream.indirect.gather [spmem:s2], $0x80, s24, s16, $0xb8;
	[tilespmem:$0x1CB40] =	vst v63  }
0x25: {  	s26 =	simm.s32 $0x180  }
0x26: {  	[tilespmem:s23], [sflag:$0x2] =	stream.indirect.gather [spmem:s2], $0x80, s26, s16, $0xb8;
	[tilespmem:$0x1CB40] =	vst v63  }
0x27: {  	s1 =	simm.s32 $0x200  }
0x28: {  	[tilespmem:s25], [sflag:$0x3] =	stream.indirect.gather [spmem:s2], $0x80, s1, s16, $0xb8;
	[tilespmem:$0x1CB40] =	vst v63  }
0x29: {  	s24 =	simm.s32 $0x280  }
0x2a: {  	[tilespmem:s28], [sflag:$0x3] =	stream.indirect.gather [spmem:s2], $0x80, s24, s16, $0xb8;
	[tilespmem:$0x1CB40] =	vst v63  }
0x2b: {  	_ =	swait.ge [sflag:s29], $0x6400  }
0x2c: {  	[sflag:s29] =	ssyncset.done $0x0  }
0x2d: {  	s26 =	sadd.s32 $0xFFFFE700, s12;
	[sflag:s29] =	ssyncadd.s32 $0xFFFF9C00  }
0x2e: {  	[hbm4b:s26+s3] =	stream.linear.scatter [tilespmem:s17], [sflag:$0x4], $0x6400, $0x38;
	[tilespmem:$0x1CB40] =	vst v63  }
0x2f: {  	_ =	swait.ge [sflag:s15], $0x6400  }
0x30: {  	[sflag:s15] =	ssyncset.done $0x0  }
0x31: {  	s1 =	simm.s32 $0x300;
	[sflag:s15] =	ssyncadd.s32 $0xFFFF9C00  }
0x32: {  	[tilespmem:s17], [sflag:$0x1] =	stream.indirect.gather [spmem:s2], $0x80, s1, s16, $0xb8;
	[tilespmem:$0x1CB40] =	vst v63  }
0x33: {  	s24 =	simm.s32 $0x380  }
0x34: {  	[tilespmem:s19], [sflag:$0x1] =	stream.indirect.gather [spmem:s2], $0x80, s24, s16, $0xb8;
	[tilespmem:$0x1CB40] =	vst v63  }
0x35: {  	_ =	swait.ge [sflag:s30], $0x6400  }
0x36: {  	[sflag:s30] =	ssyncset.done $0x0  }
0x37: {  	s26 =	sadd.s32 $0xFFFFF380, s12;
	[sflag:s30] =	ssyncadd.s32 $0xFFFF9C00  }
0x38: {  	[hbm4b:s26+s3] =	stream.linear.scatter [tilespmem:s21], [sflag:$0x4], $0x6400, $0x38;
	[tilespmem:$0x1CB40] =	vst v63  }
0x39: {  	_ =	swait.ge [sflag:s15], $0x6400  }
0x3a: {  	[sflag:s15] =	ssyncset.done $0x0  }
0x3b: {  	s1 =	simm.s32 $0x400;
	[sflag:s15] =	ssyncadd.s32 $0xFFFF9C00  }
0x3c: {  	[tilespmem:s21], [sflag:$0x2] =	stream.indirect.gather [spmem:s2], $0x80, s1, s16, $0xb8;
	[tilespmem:$0x1CB40] =	vst v63  }
0x3d: {  	s24 =	simm.s32 $0x480  }
0x3e: {  	[tilespmem:s23], [sflag:$0x2] =	stream.indirect.gather [spmem:s2], $0x80, s24, s16, $0xb8;
	[tilespmem:$0x1CB40] =	vst v63  }
0x3f: {  	_ =	swait.ge [sflag:s31], $0x6400  }
0x40: {  	[sflag:s31] =	ssyncset.done $0x0  }
0x41: {  	[sflag:s31] =	ssyncadd.s32 $0xFFFF9C00  }
0x42: {  	[hbm4b:s12+s3] =	stream.linear.scatter [tilespmem:s25], [sflag:$0x4], $0x6400, $0x38;
	[tilespmem:$0x1CB40] =	vst v63  }
0x43: {  	_ =	swait.ge [sflag:s15], $0x6400  }
0x44: {  	[sflag:s15] =	ssyncset.done $0x0  }
0x45: {  	s26 =	simm.s32 $0x500;
	[sflag:s15] =	ssyncadd.s32 $0xFFFF9C00  }
0x46: {  	[tilespmem:s25], [sflag:$0x3] =	stream.indirect.gather [spmem:s2], $0x80, s26, s16, $0xb8;
	[tilespmem:$0x1CB40] =	vst v63  }
0x47: {  	s0 =	simm.s32 $0x580;
	s24 =	simm.s32 $0xC00;
	s26 =	sadd.s32 $0x2580, s12  }
.LBB2_2:
0x48: {  	[tilespmem:s28], [sflag:$0x3] =	stream.indirect.gather [spmem:s2], $0x80, s0, s16, $0xb8;
	[tilespmem:$0x1CB40] =	vst v63  }
0x49: {  	s0 =	smov.u32 s24  }
0x4a: {  	p1 =	sne.s32 s24, $0x1E000;
	s24 =	sadd.s32 $0xC00, s24;
	_ =	swait.ge [sflag:s29], $0x6400  }
0x4b: {  	[sflag:s29] =	ssyncset.done $0x0  }
0x4c: {  	s1 =	sadd.s32 $0xFFFFE700, s26;
	[sflag:s29] =	ssyncadd.s32 $0xFFFF9C00  }
0x4d: {  	[hbm4b:s1+s3] =	stream.linear.scatter [tilespmem:s17], [sflag:$0x4], $0x6400, $0x38;
	[tilespmem:$0x1CB40] =	vst v63  }
0x4e: {  	_ =	swait.ge [sflag:s15], $0x6400  }
0x4f: {  	s0 =	sshra.s32 s0, $0x2;
	[sflag:s15] =	ssyncset.done $0x0  }
0x50: {  	s1 =	sadd.s32 $0x300, s0;
	[sflag:s15] =	ssyncadd.s32 $0xFFFF9C00  }
0x51: {  	[tilespmem:s17], [sflag:$0x1] =	stream.indirect.gather [spmem:s2], $0x80, s1, s16, $0xb8;
	[tilespmem:$0x1CB40] =	vst v63  }
0x52: {  	s1 =	sadd.s32 $0x380, s0  }
0x53: {  	[tilespmem:s19], [sflag:$0x1] =	stream.indirect.gather [spmem:s2], $0x80, s1, s16, $0xb8;
	[tilespmem:$0x1CB40] =	vst v63  }
0x54: {  	_ =	swait.ge [sflag:s30], $0x6400  }
0x55: {  	[sflag:s30] =	ssyncset.done $0x0  }
0x56: {  	s1 =	sadd.s32 $0xFFFFF380, s26;
	[sflag:s30] =	ssyncadd.s32 $0xFFFF9C00  }
0x57: {  	[hbm4b:s1+s3] =	stream.linear.scatter [tilespmem:s21], [sflag:$0x4], $0x6400, $0x38;
	[tilespmem:$0x1CB40] =	vst v63  }
0x58: {  	_ =	swait.ge [sflag:s15], $0x6400  }
0x59: {  	[sflag:s15] =	ssyncset.done $0x0  }
0x5a: {  	s1 =	sadd.s32 $0x400, s0;
	[sflag:s15] =	ssyncadd.s32 $0xFFFF9C00  }
0x5b: {  	[tilespmem:s21], [sflag:$0x2] =	stream.indirect.gather [spmem:s2], $0x80, s1, s16, $0xb8;
	[tilespmem:$0x1CB40] =	vst v63  }
0x5c: {  	s1 =	sadd.s32 $0x480, s0  }
0x5d: {  	[tilespmem:s23], [sflag:$0x2] =	stream.indirect.gather [spmem:s2], $0x80, s1, s16, $0xb8;
	[tilespmem:$0x1CB40] =	vst v63  }
0x5e: {  	_ =	swait.ge [sflag:s31], $0x6400  }
0x5f: {  	[sflag:s31] =	ssyncset.done $0x0  }
0x60: {  	[sflag:s31] =	ssyncadd.s32 $0xFFFF9C00  }
0x61: {  	[hbm4b:s26+s3] =	stream.linear.scatter [tilespmem:s25], [sflag:$0x4], $0x6400, $0x38;
	[tilespmem:$0x1CB40] =	vst v63  }
.Ltmp0:
0x62: {  	_ =	swait.ge [sflag:s15], $0x6400;
	(pc) =	sbr.rel @p1 .LBB2_2-.Ltmp0, $4  }
0x63: {  	[sflag:s15] =	ssyncset.done $0x0  }
0x64: {  	s1 =	sadd.s32 $0x500, s0;
	[sflag:s15] =	ssyncadd.s32 $0xFFFF9C00  }
0x65: {  	[tilespmem:s25], [sflag:$0x3] =	stream.indirect.gather [spmem:s2], $0x80, s1, s16, $0xb8;
	[tilespmem:$0x1CB40] =	vst v63  }
0x66: {  	s0 =	sadd.s32 $0x580, s0;
	s26 =	sadd.s32 $0x2580, s26  }
0x67: {  	[tilespmem:s28], [sflag:$0x3] =	stream.indirect.gather [spmem:s2], $0x80, s0, s16, $0xb8;
	[tilespmem:$0x1CB40] =	vst v63  }
0x68: {  	_ =	swait.ge [sflag:s29], $0x6400  }
0x69: {  	[sflag:s29] =	ssyncset.done $0x0  }
0x6a: {  	[sflag:s29] =	ssyncadd.s32 $0xFFFF9C00  }
0x6b: {  	[hbm4b:s9+s3] =	stream.linear.scatter [tilespmem:s17], [sflag:$0x4], $0x6400, $0x38;
	[tilespmem:$0x1CB40] =	vst v63  }
0x6c: {  	_ =	swait.ge [sflag:s15], $0x6400  }
0x6d: {  	[sflag:s15] =	ssyncset.done $0x0  }
0x6e: {  	s24 =	simm.s32 $0x7E00;
	[sflag:s15] =	ssyncadd.s32 $0xFFFF9C00  }
0x6f: {  	[tilespmem:s17], [sflag:$0x1] =	stream.indirect.gather [spmem:s2], $0x80, s24, s16, $0xb8;
	[tilespmem:$0x1CB40] =	vst v63  }
0x70: {  	s26 =	simm.s32 $0x7E80  }
0x71: {  	[tilespmem:s19], [sflag:$0x1] =	stream.indirect.gather [spmem:s2], $0x80, s26, s16, $0xb8;
	[tilespmem:$0x1CB40] =	vst v63  }
0x72: {  	_ =	swait.ge [sflag:s30], $0x6400  }
0x73: {  	[sflag:s30] =	ssyncset.done $0x0  }
0x74: {  	[sflag:s30] =	ssyncadd.s32 $0xFFFF9C00  }
0x75: {  	[hbm4b:s10+s3] =	stream.linear.scatter [tilespmem:s21], [sflag:$0x4], $0x6400, $0x38;
	[tilespmem:$0x1CB40] =	vst v63  }
0x76: {  	_ =	swait.ge [sflag:s15], $0x6400  }
0x77: {  	[sflag:s15] =	ssyncset.done $0x0  }
0x78: {  	[sflag:s15] =	ssyncadd.s32 $0xFFFF9C00  }
0x79: {  	[tilespmem:s21], [sflag:$0x2] =	stream.indirect.gather [spmem:s2], $0x80, s18, s16, $0xb8;
	[tilespmem:$0x1CB40] =	vst v63  }
0x7a: {  	_ = 	snop  }
0x7b: {  	[tilespmem:s23], [sflag:$0x2] =	stream.indirect.gather [spmem:s2], $0x80, s20, s16, $0xb8;
	[tilespmem:$0x1CB40] =	vst v63  }
0x7c: {  	_ =	swait.ge [sflag:s31], $0x6400  }
0x7d: {  	[sflag:s31] =	ssyncset.done $0x0  }
0x7e: {  	[sflag:s31] =	ssyncadd.s32 $0xFFFF9C00  }
0x7f: {  	[hbm4b:s11+s3] =	stream.linear.scatter [tilespmem:s25], [sflag:$0x4], $0x6400, $0x38;
	[tilespmem:$0x1CB40] =	vst v63  }
0x80: {  	_ =	swait.ge [sflag:s15], $0x6400  }
0x81: {  	[sflag:s15] =	ssyncset.done $0x0  }
0x82: {  	[sflag:s15] =	ssyncadd.s32 $0xFFFF9C00  }
0x83: {  	_ =	swait.ge [sflag:s29], $0x6400  }
0x84: {  	[sflag:s29] =	ssyncset.done $0x0  }
0x85: {  	[sflag:s29] =	ssyncadd.s32 $0xFFFF9C00  }
0x86: {  	[hbm4b:s6+s3] =	stream.linear.scatter [tilespmem:s17], [sflag:$0x4], $0x6400, $0x38;
	[tilespmem:$0x1CB40] =	vst v63  }
0x87: {  	_ =	swait.ge [sflag:s15], $0x6400  }
0x88: {  	[sflag:s15] =	ssyncset.done $0x0  }
0x89: {  	[sflag:s15] =	ssyncadd.s32 $0xFFFF9C00  }
0x8a: {  	s22 =	sadd.s32 $0x1, s22;
	_ =	swait.ge [sflag:s30], $0x6400  }
0x8b: {  	p1 =	sne.s32 s22, s8;
	[sflag:s30] =	ssyncset.done $0x0  }
.Ltmp1:
0x8c: {  	[sflag:s30] =	ssyncadd.s32 $0xFFFF9C00;
	(pc) =	sbr.rel @p1 .LBB2_1-.Ltmp1, $4  }
0x8d: {  	[hbm4b:s7+s3] =	stream.linear.scatter [tilespmem:s21], [sflag:$0x4], $0x6400, $0x38;
	[tilespmem:$0x1CB40] =	vst v63  }
0x8e: {  	_ =	swait.ge [sflag:s15], $0x6400  }
0x8f: {  	[sflag:s15] =	ssyncset.done $0x0  }
0x90: {  	[sflag:s15] =	ssyncadd.s32 $0xFFFF9C00  }
0x91: {  	_ =	sfence.sel $0x180000  }
0x92: {  	[bflag:$0x0] =	sbarrier.arrive $0xFFFF  }
0x93: {  	_ =	strace $0x90000047  }
0x94: {  	s0 =	stileid.u32;
	[bflag:$0x2] =	sbarrier.arrive $0xFFFF  }
0x95: {  	p0 =	sne.s32 s0, $0x0;
	s0 =	rddreg [dreg:$0x4]  }
0x96: {  	s0 =	sadd.s32 @!p0 $0x100000, s0  }
0x97: {  	[sflag:s0] =	ssyncadd.tile.s32 @!p0 $0x1;
	_ =	shalt  }
.Lfunc_end2:
_tile_overlayer_lowered:
.L_overlay_start_2:
0x98: {  	(tag) =	ssettag $0x2  }
0x99: {  	s0 =	rddreg [dreg:$0x0];
	s2 =	stileid.u32  }
0x9a: {  	s1 =	rddreg [dreg:$0x1];
	p0 =	sne.s32 s2, $0x0  }
0x9b: {  	s3 =	rddreg [dreg:$0x2];
	[bflag:$0x3] =	sbarrier.arrive $0xFFFF;
	s2 =	simm.s32 @!p0 $0x1C04  }
0x9c: {  	[timem:s3], [sflag:s2] =	dma.local @!p0 [hbm:s0], s1  }
0x9d: {  	s0 =	simm.s32 @!p0 $0x4  }
0x9e: {  	_ =	swait.ge @!p0 [sflag:s0], s1  }
0x9f: {  	s1 =	ssub.s32 @!p0 $0x0, s1;
	[sflag:s0] =	ssyncset.done @!p0 $0x0  }
0xa0: {  	[sflag:s0] =	ssyncadd.s32 @!p0 s1  }
0xa1: {  	[bflag:$0x3] =	sbarrier.arrive $0xFFFF  }
0xa2: {  	_ =	shalt  }

</sc_bundles>
